<compile_context>
chip_gen: v7x
topology: tpu7x:2x2x1
jax: 0.10.2.dev20260603
libtpu: 0.0.44.dev20260713+nightly
codegen_flags: <defaults>
</compile_context>

<pallas_src>
import functools

import jax
import jax.numpy as jnp
from jax import lax
from jax.experimental import pallas as pl
from jax.experimental.pallas import tpu as pltpu
from jax.experimental.pallas import tpu_sc as plsc

N = 10000
D = 128
HD = D // 2
NP = 10240
E = 320000
NC = 2
NS = 16
CHUNK = 128
GROUPS = 79
GMAX = GROUPS
T_EDGES = GROUPS * CHUNK
EPAD = NC * NS * T_EDGES
ROWS_PER_TILE = NP // NS
R_BLK = 1024



def _sc_mesh():
    return plsc.VectorSubcoreMesh(core_axis_name="c", subcore_axis_name="s",
                                  num_cores=NC, num_subcores=NS)


def _deg_body(src_hbm, dst_hbm, out_hbm, src_idx, dst_idx,
              hist_s, hist_d, sem):
    c = lax.axis_index("c")
    s = lax.axis_index("s")
    wid = c * NS + s
    pltpu.sync_copy(src_hbm.at[wid], src_idx)
    pltpu.sync_copy(dst_hbm.at[wid], dst_idx)
    zero16 = jnp.zeros((16,), jnp.float32)
    ones = jnp.full((16,), 1.0, jnp.float32)

    def zero(i, _):
        hist_s[pl.ds(i * 16, 16)] = zero16
        hist_d[pl.ds(i * 16, 16)] = zero16
        return 0

    lax.fori_loop(0, NP // 16, zero, 0)

    def step(g, _):
        for j in range(CHUNK // 16):
            plsc.addupdate_scatter(hist_s, [src_idx[g, pl.ds(j * 16, 16)]], ones)
            plsc.addupdate_scatter(hist_d, [dst_idx[g, pl.ds(j * 16, 16)]], ones)
        return 0

    lax.fori_loop(0, GROUPS, step, 0)
    pltpu.sync_copy(hist_s, out_hbm.at[wid, 0])
    pltpu.sync_copy(hist_d, out_hbm.at[wid, 1])


def _sc_degrees(src3d, dst3d):
    return pl.kernel(
        _deg_body,
        out_type=jax.ShapeDtypeStruct((NC * NS, 2, NP), jnp.float32),
        mesh=_sc_mesh(),
        scratch_types=[
            pltpu.VMEM((GROUPS, CHUNK), jnp.int32),
            pltpu.VMEM((GROUPS, CHUNK), jnp.int32),
            pltpu.VMEM((NP,), jnp.float32),
            pltpu.VMEM((NP,), jnp.float32),
            pltpu.SemaphoreType.DMA,
        ],
        compiler_params=pltpu.CompilerParams(needs_layout_passes=False),
    )(src3d, dst3d)


def _agg_body(src_hbm, dst_hbm, xs_hbm, zrows_hbm, out_hbm,
              src_idx, dst_idx, rows, acc, sem):
    c = lax.axis_index("c")
    s = lax.axis_index("s")
    wid = c * NS + s
    rbase = s * ROWS_PER_TILE

    pltpu.sync_copy(src_hbm.at[wid], src_idx)
    pltpu.sync_copy(dst_hbm.at[wid], dst_idx)
    pltpu.sync_copy(zrows_hbm, acc.at[pl.ds(rbase, ROWS_PER_TILE)])
    plsc.subcore_barrier()

    def step(g, _):
        pltpu.async_copy(xs_hbm.at[src_idx.at[g]], rows, sem).wait()
        pltpu.sync_copy(rows, acc.at[dst_idx.at[g]], add=True)
        return 0

    lax.fori_loop(0, GMAX, step, 0)
    plsc.subcore_barrier()
    pltpu.sync_copy(acc.at[pl.ds(rbase, ROWS_PER_TILE)],
                    out_hbm.at[c, pl.ds(rbase, ROWS_PER_TILE)])


def _sc_aggregate(src3d, dst3d, xs, zrows):
    return pl.kernel(
        _agg_body,
        out_type=jax.ShapeDtypeStruct((NC, NP, D), jnp.float32),
        mesh=_sc_mesh(),
        scratch_types=[
            pltpu.VMEM((GMAX, CHUNK), jnp.int32),
            pltpu.VMEM((GMAX, CHUNK), jnp.int32),
            pltpu.VMEM((CHUNK, D), jnp.float32),
            pltpu.VMEM_SHARED((NP, D), jnp.float32),
            pltpu.SemaphoreType.DMA,
        ],
    )(src3d, dst3d, xs, zrows)



def _red_body(deg_ref, out_ref):
    out_ref[...] = jnp.sum(deg_ref[...], axis=0)


def _tc_reduce(deg):
    return pl.pallas_call(
        _red_body,
        in_specs=[pl.BlockSpec((NC * NS, 2, NP), lambda: (0, 0, 0))],
        out_specs=pl.BlockSpec((2, NP), lambda: (0, 0)),
        out_shape=jax.ShapeDtypeStruct((2, NP), jnp.float32),
    )(deg)


def _pre_body(deg_ref, h_ref, xs_ref, ns_ref, nd_ref):
    i = pl.program_id(0)
    d = deg_ref[...]
    row = i * R_BLK + lax.broadcasted_iota(jnp.int32, (R_BLK, 1), 0)
    valid = row < N
    ns = jnp.where(valid, lax.rsqrt(jnp.maximum(d[0], 1.0)), 0.0)
    nd = jnp.where(valid, lax.rsqrt(jnp.maximum(d[1], 1.0)), 0.0)
    ns_ref[...] = ns
    nd_ref[...] = nd
    xs_ref[...] = h_ref[...] * ns


def _tc_pre(deg3, h_pad):
    grid = NP // R_BLK
    return pl.pallas_call(
        _pre_body,
        grid=(grid,),
        in_specs=[
            pl.BlockSpec((2, R_BLK, 1), lambda i: (0, i, 0)),
            pl.BlockSpec((R_BLK, D), lambda i: (i, 0)),
        ],
        out_specs=[
            pl.BlockSpec((R_BLK, D), lambda i: (i, 0)),
            pl.BlockSpec((R_BLK, 1), lambda i: (i, 0)),
            pl.BlockSpec((R_BLK, 1), lambda i: (i, 0)),
        ],
        out_shape=[
            jax.ShapeDtypeStruct((NP, D), jnp.float32),
            jax.ShapeDtypeStruct((NP, 1), jnp.float32),
            jax.ShapeDtypeStruct((NP, 1), jnp.float32),
        ],
    )(deg3, h_pad)


def _layer_body(agg_ref, nd_ref, ns_ref, w_ref, b_ref, out_ref, *, relu, scale):
    a = agg_ref[0] + agg_ref[1]
    y = jnp.dot(a * nd_ref[...], w_ref[...],
                preferred_element_type=jnp.float32) + b_ref[...]
    if relu:
        y = jnp.maximum(y, 0.0)
    if scale:
        y = y * ns_ref[...]
    out_ref[...] = y


def _tc_layer(agg, nd, ns, w, b2d, relu, scale):
    grid = NP // R_BLK
    return pl.pallas_call(
        functools.partial(_layer_body, relu=relu, scale=scale),
        grid=(grid,),
        in_specs=[
            pl.BlockSpec((NC, R_BLK, D), lambda i: (0, i, 0)),
            pl.BlockSpec((R_BLK, 1), lambda i: (i, 0)),
            pl.BlockSpec((R_BLK, 1), lambda i: (i, 0)),
            pl.BlockSpec((D, D), lambda i: (0, 0)),
            pl.BlockSpec((1, D), lambda i: (0, 0)),
        ],
        out_specs=pl.BlockSpec((R_BLK, D), lambda i: (i, 0)),
        out_shape=jax.ShapeDtypeStruct((NP, D), jnp.float32),
    )(agg, nd, ns, w, b2d)



def kernel(h, edge_index, W1, b1, W2, b2, W3, b3):
    e32 = edge_index.astype(jnp.int32)
    pad = jnp.full((EPAD - E,), N, dtype=jnp.int32)
    src2d = jnp.concatenate([e32[0], pad]).reshape(NC * NS, GROUPS, CHUNK)
    dst2d = jnp.concatenate([e32[1], pad]).reshape(NC * NS, GROUPS, CHUNK)
    h_pad = jnp.zeros((NP, D), jnp.float32).at[:N].set(h)
    zrows = jnp.zeros((ROWS_PER_TILE, D), jnp.float32)

    deg = _tc_reduce(_sc_degrees(src2d, dst2d))
    xs, ns, nd = _tc_pre(deg.reshape(2, NP, 1), h_pad)
    agg = _sc_aggregate(src2d, dst2d, xs, zrows)
    xs = _tc_layer(agg, nd, ns, W1, b1.reshape(1, D), True, True)
    agg = _sc_aggregate(src2d, dst2d, xs, zrows)
    xs = _tc_layer(agg, nd, ns, W2, b2.reshape(1, D), True, True)
    agg = _sc_aggregate(src2d, dst2d, xs, zrows)
    out = _tc_layer(agg, nd, ns, W3, b3.reshape(1, D), False, False)
    return out[:N]

# --- scband reference (transcript-rebuilt; emitter-appended) ---
"""Pipeline reference for scband-graph-sage-1941325218467 (READ-ONLY COPY).

The authoritative reference and input builder live on the scoring server;
editing this copy changes nothing except your own understanding.
"""

import jax, jax.numpy as jnp
import numpy as np

N = 10000
E = 320000
IN_DIM = 128
HID = 128
OUT = 128


def setup_inputs(seed: int = 0) -> dict:
    key = jax.random.key(seed)
    ks = jax.random.split(key, 8)
    h = jax.random.normal(ks[0], (N, IN_DIM), dtype=jnp.float32)
    edge_index = jax.random.randint(ks[1], (2, E), 0, N, dtype=jnp.int64)
    W1 = jax.random.normal(ks[2], (IN_DIM, HID), dtype=jnp.float32) * 0.05
    b1 = jnp.zeros((HID,), dtype=jnp.float32)
    W2 = jax.random.normal(ks[3], (HID, HID), dtype=jnp.float32) * 0.05
    b2 = jnp.zeros((HID,), dtype=jnp.float32)
    W3 = jax.random.normal(ks[4], (HID, OUT), dtype=jnp.float32) * 0.05
    b3 = jnp.zeros((OUT,), dtype=jnp.float32)
    return {"h": h, "edge_index": edge_index, "W1": W1, "b1": b1,
            "W2": W2, "b2": b2, "W3": W3, "b3": b3}


def _graph_conv(x, src, dst, norm_src, norm_dst, W, b):
    # DGL GraphConv with norm='both': D_dst^{-1/2} * sum_{j->i} (x_j * D_src^{-1/2}) @ W + b
    xs = x * norm_src[:, None]
    msg = jnp.take(xs, src, axis=0)
    agg = jax.ops.segment_sum(msg, dst, num_segments=N)
    out = agg * norm_dst[:, None]
    return out @ W + b


def reference(h, edge_index, W1, b1, W2, b2, W3, b3):
    src = edge_index[0]
    dst = edge_index[1]
    ones_e = jnp.ones((E,), dtype=jnp.float32)
    deg_out = jax.ops.segment_sum(ones_e, src, num_segments=N)
    deg_in = jax.ops.segment_sum(ones_e, dst, num_segments=N)
    norm_src = jax.lax.rsqrt(jnp.clip(deg_out, 1.0))
    norm_dst = jax.lax.rsqrt(jnp.clip(deg_in, 1.0))
    # layer 1: GraphConv(in_dim, num_hidden, activation=relu), dropout(0.0) = identity
    x = _graph_conv(h, src, dst, norm_src, norm_dst, W1, b1)
    x = jax.nn.relu(x)
    # layer 2: GraphConv(num_hidden, num_hidden, activation=relu)
    x = _graph_conv(x, src, dst, norm_src, norm_dst, W2, b2)
    x = jax.nn.relu(x)
    # layer 3: GraphConv(num_hidden, out_dim), no activation
    x = _graph_conv(x, src, dst, norm_src, norm_dst, W3, b3)
    return x

if __name__ == "__main__":
    import jax
    _d = setup_inputs()
    print(jax.jit(kernel)(*tuple(_d.values())))

</pallas_src>

<mosaic_0001>
#map = affine_map<(d0, d1) -> (0, 0, 0)>
#map1 = affine_map<(d0, d1) -> (0, 0)>
module attributes {stable_mosaic.version = 14 : i64} {
  func.func @_agg_body(%arg0: i32, %arg1: i32, %arg2: memref<32x79x128xi32, #tpu.memory_space<hbm>>, %arg3: memref<32x79x128xi32, #tpu.memory_space<hbm>>, %arg4: memref<10240x128xf32, #tpu.memory_space<hbm>>, %arg5: memref<640x128xf32, #tpu.memory_space<hbm>>, %arg6: memref<2x10240x128xf32, #tpu.memory_space<hbm>>, %arg7: memref<79x128xi32, #tpu.memory_space<vmem>>, %arg8: memref<79x128xi32, #tpu.memory_space<vmem>>, %arg9: memref<128x128xf32, #tpu.memory_space<vmem>>, %arg10: memref<10240x128xf32, #tpu.memory_space<vmem_shared>>, %arg11: memref<!tpu.dma_semaphore, #tpu.memory_space<semaphore_mem>>) attributes {dimension_semantics = [#tpu.dimension_semantics<core_parallel>, #tpu.dimension_semantics<subcore_parallel>], iteration_bounds = array<i64: 2, 16>, scalar_prefetch = 0 : i64, scratch_operands = 5 : i64, tpu.core_type = #tpu.core_type<sc_vector_subcore>, window_params = [{transform_indices = #map}, {transform_indices = #map}, {transform_indices = #map1}, {transform_indices = #map1}, {transform_indices = #map}]} {
    %mul3A = arith.constant 16 : i32
    %mul3A_0 = arith.muli %arg0, %mul3A : i32
    %add3A = arith.addi %mul3A_0, %arg1 : i32
    %mul3A_1 = arith.constant 640 : i32
    %mul3A_2 = arith.muli %arg1, %mul3A_1 : i32
    "tpu.region"() ({
      %run_scoped3A = tpu.sem_alloc : memref<!tpu.dma_semaphore, #tpu.memory_space<semaphore_mem>>
      %dma_start3A = arith.constant 0 : i32
      %dma_start3A_10 = arith.constant 0 : i32
      %dma_start3A_11 = tpu.memref_slice %arg2[%add3A, %dma_start3A, %dma_start3A_10] : memref<32x79x128xi32, #tpu.memory_space<hbm>> -> memref<1x79x128xi32, #tpu.memory_space<hbm>>
      %dma_start3A_12 = tpu.memref_squeeze %dma_start3A_11 : memref<1x79x128xi32, #tpu.memory_space<hbm>> -> memref<79x128xi32, #tpu.memory_space<hbm>>
      %dma_start3A_13 = arith.constant 0 : i32
      %dma_start3A_14 = arith.constant 0 : i32
      %dma_start3A_15 = tpu.memref_slice %arg2[%add3A, %dma_start3A_13, %dma_start3A_14] : memref<32x79x128xi32, #tpu.memory_space<hbm>> -> memref<1x79x128xi32, #tpu.memory_space<hbm>>
      %dma_start3A_16 = tpu.memref_squeeze %dma_start3A_15 : memref<1x79x128xi32, #tpu.memory_space<hbm>> -> memref<79x128xi32, #tpu.memory_space<hbm>>
      tpu.enqueue_dma source(%dma_start3A_16 : memref<79x128xi32, #tpu.memory_space<hbm>>) target(%arg7 : memref<79x128xi32, #tpu.memory_space<vmem>>) target_semaphore(%run_scoped3A : memref<!tpu.dma_semaphore, #tpu.memory_space<semaphore_mem>>)
      %dma_wait3A = arith.constant 0 : i32
      %dma_wait3A_17 = arith.constant 0 : i32
      %dma_wait3A_18 = tpu.memref_slice %arg2[%add3A, %dma_wait3A, %dma_wait3A_17] : memref<32x79x128xi32, #tpu.memory_space<hbm>> -> memref<1x79x128xi32, #tpu.memory_space<hbm>>
      %dma_wait3A_19 = tpu.memref_squeeze %dma_wait3A_18 : memref<1x79x128xi32, #tpu.memory_space<hbm>> -> memref<79x128xi32, #tpu.memory_space<hbm>>
      %dma_wait3A_20 = arith.constant 0 : i32
      %dma_wait3A_21 = arith.constant 0 : i32
      %dma_wait3A_22 = tpu.memref_slice %arg2[%add3A, %dma_wait3A_20, %dma_wait3A_21] : memref<32x79x128xi32, #tpu.memory_space<hbm>> -> memref<1x79x128xi32, #tpu.memory_space<hbm>>
      %dma_wait3A_23 = tpu.memref_squeeze %dma_wait3A_22 : memref<1x79x128xi32, #tpu.memory_space<hbm>> -> memref<79x128xi32, #tpu.memory_space<hbm>>
      tpu.wait_dma2 semaphore(%run_scoped3A : memref<!tpu.dma_semaphore, #tpu.memory_space<semaphore_mem>>) src(%dma_wait3A_23 : memref<79x128xi32, #tpu.memory_space<hbm>>) dst(%arg7 : memref<79x128xi32, #tpu.memory_space<vmem>>)
      tpu.yield
    }) : () -> ()
    "tpu.region"() ({
      %run_scoped3A = tpu.sem_alloc : memref<!tpu.dma_semaphore, #tpu.memory_space<semaphore_mem>>
      %dma_start3A = arith.constant 0 : i32
      %dma_start3A_10 = arith.constant 0 : i32
      %dma_start3A_11 = tpu.memref_slice %arg3[%add3A, %dma_start3A, %dma_start3A_10] : memref<32x79x128xi32, #tpu.memory_space<hbm>> -> memref<1x79x128xi32, #tpu.memory_space<hbm>>
      %dma_start3A_12 = tpu.memref_squeeze %dma_start3A_11 : memref<1x79x128xi32, #tpu.memory_space<hbm>> -> memref<79x128xi32, #tpu.memory_space<hbm>>
      %dma_start3A_13 = arith.constant 0 : i32
      %dma_start3A_14 = arith.constant 0 : i32
      %dma_start3A_15 = tpu.memref_slice %arg3[%add3A, %dma_start3A_13, %dma_start3A_14] : memref<32x79x128xi32, #tpu.memory_space<hbm>> -> memref<1x79x128xi32, #tpu.memory_space<hbm>>
      %dma_start3A_16 = tpu.memref_squeeze %dma_start3A_15 : memref<1x79x128xi32, #tpu.memory_space<hbm>> -> memref<79x128xi32, #tpu.memory_space<hbm>>
      tpu.enqueue_dma source(%dma_start3A_16 : memref<79x128xi32, #tpu.memory_space<hbm>>) target(%arg8 : memref<79x128xi32, #tpu.memory_space<vmem>>) target_semaphore(%run_scoped3A : memref<!tpu.dma_semaphore, #tpu.memory_space<semaphore_mem>>)
      %dma_wait3A = arith.constant 0 : i32
      %dma_wait3A_17 = arith.constant 0 : i32
      %dma_wait3A_18 = tpu.memref_slice %arg3[%add3A, %dma_wait3A, %dma_wait3A_17] : memref<32x79x128xi32, #tpu.memory_space<hbm>> -> memref<1x79x128xi32, #tpu.memory_space<hbm>>
      %dma_wait3A_19 = tpu.memref_squeeze %dma_wait3A_18 : memref<1x79x128xi32, #tpu.memory_space<hbm>> -> memref<79x128xi32, #tpu.memory_space<hbm>>
      %dma_wait3A_20 = arith.constant 0 : i32
      %dma_wait3A_21 = arith.constant 0 : i32
      %dma_wait3A_22 = tpu.memref_slice %arg3[%add3A, %dma_wait3A_20, %dma_wait3A_21] : memref<32x79x128xi32, #tpu.memory_space<hbm>> -> memref<1x79x128xi32, #tpu.memory_space<hbm>>
      %dma_wait3A_23 = tpu.memref_squeeze %dma_wait3A_22 : memref<1x79x128xi32, #tpu.memory_space<hbm>> -> memref<79x128xi32, #tpu.memory_space<hbm>>
      tpu.wait_dma2 semaphore(%run_scoped3A : memref<!tpu.dma_semaphore, #tpu.memory_space<semaphore_mem>>) src(%dma_wait3A_23 : memref<79x128xi32, #tpu.memory_space<hbm>>) dst(%arg8 : memref<79x128xi32, #tpu.memory_space<vmem>>)
      tpu.yield
    }) : () -> ()
    "tpu.region"() ({
      %run_scoped3A = tpu.sem_alloc : memref<!tpu.dma_semaphore, #tpu.memory_space<semaphore_mem>>
      %dma_start3A = arith.constant 0 : i32
      %dma_start3A_10 = tpu.memref_slice %arg10[%mul3A_2, %dma_start3A] : memref<10240x128xf32, #tpu.memory_space<vmem_shared>> -> memref<640x128xf32, #tpu.memory_space<vmem_shared>>
      tpu.enqueue_dma source(%arg5 : memref<640x128xf32, #tpu.memory_space<hbm>>) target(%dma_start3A_10 : memref<640x128xf32, #tpu.memory_space<vmem_shared>>) target_semaphore(%run_scoped3A : memref<!tpu.dma_semaphore, #tpu.memory_space<semaphore_mem>>)
      %dma_wait3A = arith.constant 0 : i32
      %dma_wait3A_11 = tpu.memref_slice %arg10[%mul3A_2, %dma_wait3A] : memref<10240x128xf32, #tpu.memory_space<vmem_shared>> -> memref<640x128xf32, #tpu.memory_space<vmem_shared>>
      tpu.wait_dma2 semaphore(%run_scoped3A : memref<!tpu.dma_semaphore, #tpu.memory_space<semaphore_mem>>) src(%arg5 : memref<640x128xf32, #tpu.memory_space<hbm>>) dst(%dma_wait3A_11 : memref<640x128xf32, #tpu.memory_space<vmem_shared>>)
      tpu.yield
    }) : () -> ()
    %barrier3A = arith.constant 0 : index
    tpu.barrier barrier_id(%barrier3A)
    %scan3A = arith.constant 0 : i32
    %scan3A_3 = arith.constant 0 : i32
    %scan3A_4 = arith.constant 79 : i32
    %scan3A_5 = arith.addi %scan3A_3, %scan3A_4 : i32
    %scan3A_6 = arith.constant 1 : i32
    %scan3A_7 = scf.for %scan3A_10 = %scan3A_3 to %scan3A_5 step %scan3A_6 iter_args(%scan3A_11 = %scan3A) -> (i32)  : i32 {
      %dma_start3A = arith.constant 0 : i32
      %dma_start3A_12 = tpu.memref_slice %arg7[%scan3A_10, %dma_start3A] : memref<79x128xi32, #tpu.memory_space<vmem>> -> memref<1x128xi32, #tpu.memory_space<vmem>>
      %dma_start3A_13 = tpu.memref_squeeze %dma_start3A_12 : memref<1x128xi32, #tpu.memory_space<vmem>> -> memref<128xi32, #tpu.memory_space<vmem>>
      %dma_start3A_14 = arith.constant 0 : i32
      %dma_start3A_15 = arith.constant 0 : i32
      %dma_start3A_16 = tpu.memref_slice %arg4[%dma_start3A_14, %dma_start3A_15] : memref<10240x128xf32, #tpu.memory_space<hbm>> -> memref<10240x128xf32, #tpu.memory_space<hbm>>
      tpu.enqueue_indirect_dma source(%dma_start3A_16 : memref<10240x128xf32, #tpu.memory_space<hbm>>) target(%arg9 : memref<128x128xf32, #tpu.memory_space<vmem>>) offsets(%dma_start3A_13 : memref<128xi32, #tpu.memory_space<vmem>>) semaphore(%arg11 : memref<!tpu.dma_semaphore, #tpu.memory_space<semaphore_mem>>)
      %dma_wait3A = arith.constant 0 : i32
      %dma_wait3A_17 = tpu.memref_slice %arg7[%scan3A_10, %dma_wait3A] : memref<79x128xi32, #tpu.memory_space<vmem>> -> memref<1x128xi32, #tpu.memory_space<vmem>>
      %dma_wait3A_18 = tpu.memref_squeeze %dma_wait3A_17 : memref<1x128xi32, #tpu.memory_space<vmem>> -> memref<128xi32, #tpu.memory_space<vmem>>
      %dma_wait3A_19 = arith.constant 0 : i32
      %dma_wait3A_20 = arith.constant 0 : i32
      %dma_wait3A_21 = tpu.memref_slice %arg4[%dma_wait3A_19, %dma_wait3A_20] : memref<10240x128xf32, #tpu.memory_space<hbm>> -> memref<10240x128xf32, #tpu.memory_space<hbm>>
      tpu.wait_indirect_dma semaphore(%arg11 : memref<!tpu.dma_semaphore, #tpu.memory_space<semaphore_mem>>) src(%dma_wait3A_21 : memref<10240x128xf32, #tpu.memory_space<hbm>>) dst(%arg9 : memref<128x128xf32, #tpu.memory_space<vmem>>)
      "tpu.region"() ({
        %run_scoped3A = tpu.sem_alloc : memref<!tpu.dma_semaphore, #tpu.memory_space<semaphore_mem>>
        %dma_start3A_23 = arith.constant 0 : i32
        %dma_start3A_24 = tpu.memref_slice %arg8[%scan3A_10, %dma_start3A_23] : memref<79x128xi32, #tpu.memory_space<vmem>> -> memref<1x128xi32, #tpu.memory_space<vmem>>
        %dma_start3A_25 = tpu.memref_squeeze %dma_start3A_24 : memref<1x128xi32, #tpu.memory_space<vmem>> -> memref<128xi32, #tpu.memory_space<vmem>>
        %dma_start3A_26 = arith.constant 0 : i32
        %dma_start3A_27 = arith.constant 0 : i32
        %dma_start3A_28 = tpu.memref_slice %arg10[%dma_start3A_26, %dma_start3A_27] : memref<10240x128xf32, #tpu.memory_space<vmem_shared>> -> memref<10240x128xf32, #tpu.memory_space<vmem_shared>>
        tpu.enqueue_indirect_dma source(%arg9 : memref<128x128xf32, #tpu.memory_space<vmem>>) target(%dma_start3A_28 : memref<10240x128xf32, #tpu.memory_space<vmem_shared>>) offsets(%dma_start3A_25 : memref<128xi32, #tpu.memory_space<vmem>>) semaphore(%run_scoped3A : memref<!tpu.dma_semaphore, #tpu.memory_space<semaphore_mem>>) {add = true}
        %dma_wait3A_29 = arith.constant 0 : i32
        %dma_wait3A_30 = tpu.memref_slice %arg8[%scan3A_10, %dma_wait3A_29] : memref<79x128xi32, #tpu.memory_space<vmem>> -> memref<1x128xi32, #tpu.memory_space<vmem>>
        %dma_wait3A_31 = tpu.memref_squeeze %dma_wait3A_30 : memref<1x128xi32, #tpu.memory_space<vmem>> -> memref<128xi32, #tpu.memory_space<vmem>>
        %dma_wait3A_32 = arith.constant 0 : i32
        %dma_wait3A_33 = arith.constant 0 : i32
        %dma_wait3A_34 = tpu.memref_slice %arg10[%dma_wait3A_32, %dma_wait3A_33] : memref<10240x128xf32, #tpu.memory_space<vmem_shared>> -> memref<10240x128xf32, #tpu.memory_space<vmem_shared>>
        tpu.wait_indirect_dma semaphore(%run_scoped3A : memref<!tpu.dma_semaphore, #tpu.memory_space<semaphore_mem>>) src(%arg9 : memref<128x128xf32, #tpu.memory_space<vmem>>) dst(%dma_wait3A_34 : memref<10240x128xf32, #tpu.memory_space<vmem_shared>>)
        tpu.yield
      }) : () -> ()
      %scan3A_22 = arith.constant 0 : i32
      scf.yield %scan3A_22 : i32
    }
    %scan3A_8 = arith.constant 79 : i32
    %barrier3A_9 = arith.constant 0 : index
    tpu.barrier barrier_id(%barrier3A_9)
    "tpu.region"() ({
      %run_scoped3A = tpu.sem_alloc : memref<!tpu.dma_semaphore, #tpu.memory_space<semaphore_mem>>
      %dma_start3A = arith.constant 0 : i32
      %dma_start3A_10 = tpu.memref_slice %arg6[%arg0, %mul3A_2, %dma_start3A] : memref<2x10240x128xf32, #tpu.memory_space<hbm>> -> memref<1x640x128xf32, #tpu.memory_space<hbm>>
      %dma_start3A_11 = tpu.memref_squeeze %dma_start3A_10 : memref<1x640x128xf32, #tpu.memory_space<hbm>> -> memref<640x128xf32, #tpu.memory_space<hbm>>
      %dma_start3A_12 = arith.constant 0 : i32
      %dma_start3A_13 = tpu.memref_slice %arg10[%mul3A_2, %dma_start3A_12] : memref<10240x128xf32, #tpu.memory_space<vmem_shared>> -> memref<640x128xf32, #tpu.memory_space<vmem_shared>>
      tpu.enqueue_dma source(%dma_start3A_13 : memref<640x128xf32, #tpu.memory_space<vmem_shared>>) target(%dma_start3A_11 : memref<640x128xf32, #tpu.memory_space<hbm>>) target_semaphore(%run_scoped3A : memref<!tpu.dma_semaphore, #tpu.memory_space<semaphore_mem>>)
      %dma_wait3A = arith.constant 0 : i32
      %dma_wait3A_14 = tpu.memref_slice %arg6[%arg0, %mul3A_2, %dma_wait3A] : memref<2x10240x128xf32, #tpu.memory_space<hbm>> -> memref<1x640x128xf32, #tpu.memory_space<hbm>>
      %dma_wait3A_15 = tpu.memref_squeeze %dma_wait3A_14 : memref<1x640x128xf32, #tpu.memory_space<hbm>> -> memref<640x128xf32, #tpu.memory_space<hbm>>
      %dma_wait3A_16 = arith.constant 0 : i32
      %dma_wait3A_17 = tpu.memref_slice %arg10[%mul3A_2, %dma_wait3A_16] : memref<10240x128xf32, #tpu.memory_space<vmem_shared>> -> memref<640x128xf32, #tpu.memory_space<vmem_shared>>
      tpu.wait_dma2 semaphore(%run_scoped3A : memref<!tpu.dma_semaphore, #tpu.memory_space<semaphore_mem>>) src(%dma_wait3A_17 : memref<640x128xf32, #tpu.memory_space<vmem_shared>>) dst(%dma_wait3A_15 : memref<640x128xf32, #tpu.memory_space<hbm>>)
      tpu.yield
    }) : () -> ()
    return
  }
}

#map = affine_map<(d0, d1) -> (0, 0, 0)>
module attributes {stable_mosaic.version = 14 : i64} {
  func.func @_deg_body(%arg0: i32, %arg1: i32, %arg2: memref<32x79x128xi32, #tpu.memory_space<hbm>>, %arg3: memref<32x79x128xi32, #tpu.memory_space<hbm>>, %arg4: memref<32x2x10240xf32, #tpu.memory_space<hbm>>, %arg5: memref<79x128xi32, #tpu.memory_space<vmem>>, %arg6: memref<79x128xi32, #tpu.memory_space<vmem>>, %arg7: memref<10240xf32, #tpu.memory_space<vmem>>, %arg8: memref<10240xf32, #tpu.memory_space<vmem>>, %arg9: memref<!tpu.dma_semaphore, #tpu.memory_space<semaphore_mem>>) attributes {dimension_semantics = [#tpu.dimension_semantics<core_parallel>, #tpu.dimension_semantics<subcore_parallel>], iteration_bounds = array<i64: 2, 16>, scalar_prefetch = 0 : i64, scratch_operands = 5 : i64, tpu.core_type = #tpu.core_type<sc_vector_subcore>, window_params = [{transform_indices = #map}, {transform_indices = #map}, {transform_indices = #map}]} {
    %mul3A = arith.constant 16 : i32
    %mul3A_0 = arith.muli %arg0, %mul3A : i32
    %add3A = arith.addi %mul3A_0, %arg1 : i32
    "tpu.region"() ({
      %run_scoped3A_18 = tpu.sem_alloc : memref<!tpu.dma_semaphore, #tpu.memory_space<semaphore_mem>>
      %dma_start3A = arith.constant 0 : i32
      %dma_start3A_19 = arith.constant 0 : i32
      %dma_start3A_20 = tpu.memref_slice %arg2[%add3A, %dma_start3A, %dma_start3A_19] : memref<32x79x128xi32, #tpu.memory_space<hbm>> -> memref<1x79x128xi32, #tpu.memory_space<hbm>>
      %dma_start3A_21 = tpu.memref_squeeze %dma_start3A_20 : memref<1x79x128xi32, #tpu.memory_space<hbm>> -> memref<79x128xi32, #tpu.memory_space<hbm>>
      %dma_start3A_22 = arith.constant 0 : i32
      %dma_start3A_23 = arith.constant 0 : i32
      %dma_start3A_24 = tpu.memref_slice %arg2[%add3A, %dma_start3A_22, %dma_start3A_23] : memref<32x79x128xi32, #tpu.memory_space<hbm>> -> memref<1x79x128xi32, #tpu.memory_space<hbm>>
      %dma_start3A_25 = tpu.memref_squeeze %dma_start3A_24 : memref<1x79x128xi32, #tpu.memory_space<hbm>> -> memref<79x128xi32, #tpu.memory_space<hbm>>
      tpu.enqueue_dma source(%dma_start3A_25 : memref<79x128xi32, #tpu.memory_space<hbm>>) target(%arg5 : memref<79x128xi32, #tpu.memory_space<vmem>>) target_semaphore(%run_scoped3A_18 : memref<!tpu.dma_semaphore, #tpu.memory_space<semaphore_mem>>)
      %dma_wait3A = arith.constant 0 : i32
      %dma_wait3A_26 = arith.constant 0 : i32
      %dma_wait3A_27 = tpu.memref_slice %arg2[%add3A, %dma_wait3A, %dma_wait3A_26] : memref<32x79x128xi32, #tpu.memory_space<hbm>> -> memref<1x79x128xi32, #tpu.memory_space<hbm>>
      %dma_wait3A_28 = tpu.memref_squeeze %dma_wait3A_27 : memref<1x79x128xi32, #tpu.memory_space<hbm>> -> memref<79x128xi32, #tpu.memory_space<hbm>>
      %dma_wait3A_29 = arith.constant 0 : i32
      %dma_wait3A_30 = arith.constant 0 : i32
      %dma_wait3A_31 = tpu.memref_slice %arg2[%add3A, %dma_wait3A_29, %dma_wait3A_30] : memref<32x79x128xi32, #tpu.memory_space<hbm>> -> memref<1x79x128xi32, #tpu.memory_space<hbm>>
      %dma_wait3A_32 = tpu.memref_squeeze %dma_wait3A_31 : memref<1x79x128xi32, #tpu.memory_space<hbm>> -> memref<79x128xi32, #tpu.memory_space<hbm>>
      tpu.wait_dma2 semaphore(%run_scoped3A_18 : memref<!tpu.dma_semaphore, #tpu.memory_space<semaphore_mem>>) src(%dma_wait3A_32 : memref<79x128xi32, #tpu.memory_space<hbm>>) dst(%arg5 : memref<79x128xi32, #tpu.memory_space<vmem>>)
      tpu.yield
    }) : () -> ()
    "tpu.region"() ({
      %run_scoped3A_18 = tpu.sem_alloc : memref<!tpu.dma_semaphore, #tpu.memory_space<semaphore_mem>>
      %dma_start3A = arith.constant 0 : i32
      %dma_start3A_19 = arith.constant 0 : i32
      %dma_start3A_20 = tpu.memref_slice %arg3[%add3A, %dma_start3A, %dma_start3A_19] : memref<32x79x128xi32, #tpu.memory_space<hbm>> -> memref<1x79x128xi32, #tpu.memory_space<hbm>>
      %dma_start3A_21 = tpu.memref_squeeze %dma_start3A_20 : memref<1x79x128xi32, #tpu.memory_space<hbm>> -> memref<79x128xi32, #tpu.memory_space<hbm>>
      %dma_start3A_22 = arith.constant 0 : i32
      %dma_start3A_23 = arith.constant 0 : i32
      %dma_start3A_24 = tpu.memref_slice %arg3[%add3A, %dma_start3A_22, %dma_start3A_23] : memref<32x79x128xi32, #tpu.memory_space<hbm>> -> memref<1x79x128xi32, #tpu.memory_space<hbm>>
      %dma_start3A_25 = tpu.memref_squeeze %dma_start3A_24 : memref<1x79x128xi32, #tpu.memory_space<hbm>> -> memref<79x128xi32, #tpu.memory_space<hbm>>
      tpu.enqueue_dma source(%dma_start3A_25 : memref<79x128xi32, #tpu.memory_space<hbm>>) target(%arg6 : memref<79x128xi32, #tpu.memory_space<vmem>>) target_semaphore(%run_scoped3A_18 : memref<!tpu.dma_semaphore, #tpu.memory_space<semaphore_mem>>)
      %dma_wait3A = arith.constant 0 : i32
      %dma_wait3A_26 = arith.constant 0 : i32
      %dma_wait3A_27 = tpu.memref_slice %arg3[%add3A, %dma_wait3A, %dma_wait3A_26] : memref<32x79x128xi32, #tpu.memory_space<hbm>> -> memref<1x79x128xi32, #tpu.memory_space<hbm>>
      %dma_wait3A_28 = tpu.memref_squeeze %dma_wait3A_27 : memref<1x79x128xi32, #tpu.memory_space<hbm>> -> memref<79x128xi32, #tpu.memory_space<hbm>>
      %dma_wait3A_29 = arith.constant 0 : i32
      %dma_wait3A_30 = arith.constant 0 : i32
      %dma_wait3A_31 = tpu.memref_slice %arg3[%add3A, %dma_wait3A_29, %dma_wait3A_30] : memref<32x79x128xi32, #tpu.memory_space<hbm>> -> memref<1x79x128xi32, #tpu.memory_space<hbm>>
      %dma_wait3A_32 = tpu.memref_squeeze %dma_wait3A_31 : memref<1x79x128xi32, #tpu.memory_space<hbm>> -> memref<79x128xi32, #tpu.memory_space<hbm>>
      tpu.wait_dma2 semaphore(%run_scoped3A_18 : memref<!tpu.dma_semaphore, #tpu.memory_space<semaphore_mem>>) src(%dma_wait3A_32 : memref<79x128xi32, #tpu.memory_space<hbm>>) dst(%arg6 : memref<79x128xi32, #tpu.memory_space<vmem>>)
      tpu.yield
    }) : () -> ()
    %broadcast_in_dim3A = arith.constant 0.000000e+00 : f32
    %broadcast_in_dim3A_1 = vector.broadcast %broadcast_in_dim3A : f32 to vector<16xf32>
    %broadcast_in_dim3A_2 = arith.constant 1.000000e+00 : f32
    %broadcast_in_dim3A_3 = vector.broadcast %broadcast_in_dim3A_2 : f32 to vector<16xf32>
    %scan3A = arith.constant 0 : i32
    %scan3A_4 = arith.constant 0 : i32
    %scan3A_5 = arith.constant 640 : i32
    %scan3A_6 = arith.addi %scan3A_4, %scan3A_5 : i32
    %scan3A_7 = arith.constant 1 : i32
    %scan3A_8 = scf.for %scan3A_18 = %scan3A_4 to %scan3A_6 step %scan3A_7 iter_args(%scan3A_19 = %scan3A) -> (i32)  : i32 {
      %mul3A_20 = arith.constant 16 : i32
      %mul3A_21 = arith.muli %scan3A_18, %mul3A_20 : i32
      %swap3A = arith.index_cast %mul3A_21 : i32 to index
      %swap3A_22 = tpu.vector_load %arg7[%swap3A] {strides = array<i32>} : memref<10240xf32, #tpu.memory_space<vmem>>, vector<16xf32>,
      tpu.vector_store %arg7[%swap3A], %broadcast_in_dim3A_1 {strides = array<i32>} : memref<10240xf32, #tpu.memory_space<vmem>>, vector<16xf32>,
      %mul3A_23 = arith.constant 16 : i32
      %mul3A_24 = arith.muli %scan3A_18, %mul3A_23 : i32
      %swap3A_25 = arith.index_cast %mul3A_24 : i32 to index
      %swap3A_26 = tpu.vector_load %arg8[%swap3A_25] {strides = array<i32>} : memref<10240xf32, #tpu.memory_space<vmem>>, vector<16xf32>,
      tpu.vector_store %arg8[%swap3A_25], %broadcast_in_dim3A_1 {strides = array<i32>} : memref<10240xf32, #tpu.memory_space<vmem>>, vector<16xf32>,
      %scan3A_27 = arith.constant 0 : i32
      scf.yield %scan3A_27 : i32
    }
    %scan3A_9 = arith.constant 640 : i32
    %scan3A_10 = arith.constant 0 : i32
    %scan3A_11 = arith.constant 0 : i32
    %scan3A_12 = arith.constant 79 : i32
    %scan3A_13 = arith.addi %scan3A_11, %scan3A_12 : i32
    %scan3A_14 = arith.constant 1 : i32
    %scan3A_15 = scf.for %scan3A_18 = %scan3A_11 to %scan3A_13 step %scan3A_14 iter_args(%scan3A_19 = %scan3A_10) -> (i32)  : i32 {
      %get3A = arith.index_cast %scan3A_18 : i32 to index
      %get3A_20 = arith.constant 0 : index
      %get3A_21 = tpu.vector_load %arg5[%get3A, %get3A_20] {strides = array<i32>} : memref<79x128xi32, #tpu.memory_space<vmem>>, vector<16xi32>,
      tpu.vector_store_idx %arg7[%get3A_21], %broadcast_in_dim3A_3 {add = true} : memref<10240xf32, #tpu.memory_space<vmem>>[vector<16xi32>], vector<16xf32>,
      %get3A_22 = arith.index_cast %scan3A_18 : i32 to index
      %get3A_23 = arith.constant 0 : index
      %get3A_24 = tpu.vector_load %arg6[%get3A_22, %get3A_23] {strides = array<i32>} : memref<79x128xi32, #tpu.memory_space<vmem>>, vector<16xi32>,
      tpu.vector_store_idx %arg8[%get3A_24], %broadcast_in_dim3A_3 {add = true} : memref<10240xf32, #tpu.memory_space<vmem>>[vector<16xi32>], vector<16xf32>,
      %get3A_25 = arith.index_cast %scan3A_18 : i32 to index
      %get3A_26 = arith.constant 16 : index
      %get3A_27 = tpu.vector_load %arg5[%get3A_25, %get3A_26] {strides = array<i32>} : memref<79x128xi32, #tpu.memory_space<vmem>>, vector<16xi32>,
      tpu.vector_store_idx %arg7[%get3A_27], %broadcast_in_dim3A_3 {add = true} : memref<10240xf32, #tpu.memory_space<vmem>>[vector<16xi32>], vector<16xf32>,
      %get3A_28 = arith.index_cast %scan3A_18 : i32 to index
      %get3A_29 = arith.constant 16 : index
      %get3A_30 = tpu.vector_load %arg6[%get3A_28, %get3A_29] {strides = array<i32>} : memref<79x128xi32, #tpu.memory_space<vmem>>, vector<16xi32>,
      tpu.vector_store_idx %arg8[%get3A_30], %broadcast_in_dim3A_3 {add = true} : memref<10240xf32, #tpu.memory_space<vmem>>[vector<16xi32>], vector<16xf32>,
      %get3A_31 = arith.index_cast %scan3A_18 : i32 to index
      %get3A_32 = arith.constant 32 : index
      %get3A_33 = tpu.vector_load %arg5[%get3A_31, %get3A_32] {strides = array<i32>} : memref<79x128xi32, #tpu.memory_space<vmem>>, vector<16xi32>,
      tpu.vector_store_idx %arg7[%get3A_33], %broadcast_in_dim3A_3 {add = true} : memref<10240xf32, #tpu.memory_space<vmem>>[vector<16xi32>], vector<16xf32>,
      %get3A_34 = arith.index_cast %scan3A_18 : i32 to index
      %get3A_35 = arith.constant 32 : index
      %get3A_36 = tpu.vector_load %arg6[%get3A_34, %get3A_35] {strides = array<i32>} : memref<79x128xi32, #tpu.memory_space<vmem>>, vector<16xi32>,
      tpu.vector_store_idx %arg8[%get3A_36], %broadcast_in_dim3A_3 {add = true} : memref<10240xf32, #tpu.memory_space<vmem>>[vector<16xi32>], vector<16xf32>,
      %get3A_37 = arith.index_cast %scan3A_18 : i32 to index
      %get3A_38 = arith.constant 48 : index
      %get3A_39 = tpu.vector_load %arg5[%get3A_37, %get3A_38] {strides = array<i32>} : memref<79x128xi32, #tpu.memory_space<vmem>>, vector<16xi32>,
      tpu.vector_store_idx %arg7[%get3A_39], %broadcast_in_dim3A_3 {add = true} : memref<10240xf32, #tpu.memory_space<vmem>>[vector<16xi32>], vector<16xf32>,
      %get3A_40 = arith.index_cast %scan3A_18 : i32 to index
      %get3A_41 = arith.constant 48 : index
      %get3A_42 = tpu.vector_load %arg6[%get3A_40, %get3A_41] {strides = array<i32>} : memref<79x128xi32, #tpu.memory_space<vmem>>, vector<16xi32>,
      tpu.vector_store_idx %arg8[%get3A_42], %broadcast_in_dim3A_3 {add = true} : memref<10240xf32, #tpu.memory_space<vmem>>[vector<16xi32>], vector<16xf32>,
      %get3A_43 = arith.index_cast %scan3A_18 : i32 to index
      %get3A_44 = arith.constant 64 : index
      %get3A_45 = tpu.vector_load %arg5[%get3A_43, %get3A_44] {strides = array<i32>} : memref<79x128xi32, #tpu.memory_space<vmem>>, vector<16xi32>,
      tpu.vector_store_idx %arg7[%get3A_45], %broadcast_in_dim3A_3 {add = true} : memref<10240xf32, #tpu.memory_space<vmem>>[vector<16xi32>], vector<16xf32>,
      %get3A_46 = arith.index_cast %scan3A_18 : i32 to index
      %get3A_47 = arith.constant 64 : index
      %get3A_48 = tpu.vector_load %arg6[%get3A_46, %get3A_47] {strides = array<i32>} : memref<79x128xi32, #tpu.memory_space<vmem>>, vector<16xi32>,
      tpu.vector_store_idx %arg8[%get3A_48], %broadcast_in_dim3A_3 {add = true} : memref<10240xf32, #tpu.memory_space<vmem>>[vector<16xi32>], vector<16xf32>,
      %get3A_49 = arith.index_cast %scan3A_18 : i32 to index
      %get3A_50 = arith.constant 80 : index
      %get3A_51 = tpu.vector_load %arg5[%get3A_49, %get3A_50] {strides = array<i32>} : memref<79x128xi32, #tpu.memory_space<vmem>>, vector<16xi32>,
      tpu.vector_store_idx %arg7[%get3A_51], %broadcast_in_dim3A_3 {add = true} : memref<10240xf32, #tpu.memory_space<vmem>>[vector<16xi32>], vector<16xf32>,
      %get3A_52 = arith.index_cast %scan3A_18 : i32 to index
      %get3A_53 = arith.constant 80 : index
      %get3A_54 = tpu.vector_load %arg6[%get3A_52, %get3A_53] {strides = array<i32>} : memref<79x128xi32, #tpu.memory_space<vmem>>, vector<16xi32>,
      tpu.vector_store_idx %arg8[%get3A_54], %broadcast_in_dim3A_3 {add = true} : memref<10240xf32, #tpu.memory_space<vmem>>[vector<16xi32>], vector<16xf32>,
      %get3A_55 = arith.index_cast %scan3A_18 : i32 to index
      %get3A_56 = arith.constant 96 : index
      %get3A_57 = tpu.vector_load %arg5[%get3A_55, %get3A_56] {strides = array<i32>} : memref<79x128xi32, #tpu.memory_space<vmem>>, vector<16xi32>,
      tpu.vector_store_idx %arg7[%get3A_57], %broadcast_in_dim3A_3 {add = true} : memref<10240xf32, #tpu.memory_space<vmem>>[vector<16xi32>], vector<16xf32>,
      %get3A_58 = arith.index_cast %scan3A_18 : i32 to index
      %get3A_59 = arith.constant 96 : index
      %get3A_60 = tpu.vector_load %arg6[%get3A_58, %get3A_59] {strides = array<i32>} : memref<79x128xi32, #tpu.memory_space<vmem>>, vector<16xi32>,
      tpu.vector_store_idx %arg8[%get3A_60], %broadcast_in_dim3A_3 {add = true} : memref<10240xf32, #tpu.memory_space<vmem>>[vector<16xi32>], vector<16xf32>,
      %get3A_61 = arith.index_cast %scan3A_18 : i32 to index
      %get3A_62 = arith.constant 112 : index
      %get3A_63 = tpu.vector_load %arg5[%get3A_61, %get3A_62] {strides = array<i32>} : memref<79x128xi32, #tpu.memory_space<vmem>>, vector<16xi32>,
      tpu.vector_store_idx %arg7[%get3A_63], %broadcast_in_dim3A_3 {add = true} : memref<10240xf32, #tpu.memory_space<vmem>>[vector<16xi32>], vector<16xf32>,
      %get3A_64 = arith.index_cast %scan3A_18 : i32 to index
      %get3A_65 = arith.constant 112 : index
      %get3A_66 = tpu.vector_load %arg6[%get3A_64, %get3A_65] {strides = array<i32>} : memref<79x128xi32, #tpu.memory_space<vmem>>, vector<16xi32>,
      tpu.vector_store_idx %arg8[%get3A_66], %broadcast_in_dim3A_3 {add = true} : memref<10240xf32, #tpu.memory_space<vmem>>[vector<16xi32>], vector<16xf32>,
      %scan3A_67 = arith.constant 0 : i32
      scf.yield %scan3A_67 : i32
    }
    %scan3A_16 = arith.constant 79 : i32
    %run_scoped3A = arith.constant 0 : i32
    "tpu.region"() ({
      %run_scoped3A_18 = tpu.sem_alloc : memref<!tpu.dma_semaphore, #tpu.memory_space<semaphore_mem>>
      %dma_start3A = arith.constant 0 : i32
      %dma_start3A_19 = tpu.memref_slice %arg4[%add3A, %run_scoped3A, %dma_start3A] : memref<32x2x10240xf32, #tpu.memory_space<hbm>> -> memref<1x1x10240xf32, #tpu.memory_space<hbm>>
      %dma_start3A_20 = tpu.memref_squeeze %dma_start3A_19 : memref<1x1x10240xf32, #tpu.memory_space<hbm>> -> memref<10240xf32, #tpu.memory_space<hbm>>
      %dma_start3A_21 = arith.constant 0 : i32
      %dma_start3A_22 = tpu.memref_slice %arg4[%add3A, %run_scoped3A, %dma_start3A_21] : memref<32x2x10240xf32, #tpu.memory_space<hbm>> -> memref<1x1x10240xf32, #tpu.memory_space<hbm>>
      %dma_start3A_23 = tpu.memref_squeeze %dma_start3A_22 : memref<1x1x10240xf32, #tpu.memory_space<hbm>> -> memref<10240xf32, #tpu.memory_space<hbm>>
      tpu.enqueue_dma source(%arg7 : memref<10240xf32, #tpu.memory_space<vmem>>) target(%dma_start3A_23 : memref<10240xf32, #tpu.memory_space<hbm>>) target_semaphore(%run_scoped3A_18 : memref<!tpu.dma_semaphore, #tpu.memory_space<semaphore_mem>>)
      %dma_wait3A = arith.constant 0 : i32
      %dma_wait3A_24 = tpu.memref_slice %arg4[%add3A, %run_scoped3A, %dma_wait3A] : memref<32x2x10240xf32, #tpu.memory_space<hbm>> -> memref<1x1x10240xf32, #tpu.memory_space<hbm>>
      %dma_wait3A_25 = tpu.memref_squeeze %dma_wait3A_24 : memref<1x1x10240xf32, #tpu.memory_space<hbm>> -> memref<10240xf32, #tpu.memory_space<hbm>>
      %dma_wait3A_26 = arith.constant 0 : i32
      %dma_wait3A_27 = tpu.memref_slice %arg4[%add3A, %run_scoped3A, %dma_wait3A_26] : memref<32x2x10240xf32, #tpu.memory_space<hbm>> -> memref<1x1x10240xf32, #tpu.memory_space<hbm>>
      %dma_wait3A_28 = tpu.memref_squeeze %dma_wait3A_27 : memref<1x1x10240xf32, #tpu.memory_space<hbm>> -> memref<10240xf32, #tpu.memory_space<hbm>>
      tpu.wait_dma2 semaphore(%run_scoped3A_18 : memref<!tpu.dma_semaphore, #tpu.memory_space<semaphore_mem>>) src(%arg7 : memref<10240xf32, #tpu.memory_space<vmem>>) dst(%dma_wait3A_28 : memref<10240xf32, #tpu.memory_space<hbm>>)
      tpu.yield
    }) : () -> ()
    %run_scoped3A_17 = arith.constant 1 : i32
    "tpu.region"() ({
      %run_scoped3A_18 = tpu.sem_alloc : memref<!tpu.dma_semaphore, #tpu.memory_space<semaphore_mem>>
      %dma_start3A = arith.constant 0 : i32
      %dma_start3A_19 = tpu.memref_slice %arg4[%add3A, %run_scoped3A_17, %dma_start3A] : memref<32x2x10240xf32, #tpu.memory_space<hbm>> -> memref<1x1x10240xf32, #tpu.memory_space<hbm>>
      %dma_start3A_20 = tpu.memref_squeeze %dma_start3A_19 : memref<1x1x10240xf32, #tpu.memory_space<hbm>> -> memref<10240xf32, #tpu.memory_space<hbm>>
      %dma_start3A_21 = arith.constant 0 : i32
      %dma_start3A_22 = tpu.memref_slice %arg4[%add3A, %run_scoped3A_17, %dma_start3A_21] : memref<32x2x10240xf32, #tpu.memory_space<hbm>> -> memref<1x1x10240xf32, #tpu.memory_space<hbm>>
      %dma_start3A_23 = tpu.memref_squeeze %dma_start3A_22 : memref<1x1x10240xf32, #tpu.memory_space<hbm>> -> memref<10240xf32, #tpu.memory_space<hbm>>
      tpu.enqueue_dma source(%arg8 : memref<10240xf32, #tpu.memory_space<vmem>>) target(%dma_start3A_23 : memref<10240xf32, #tpu.memory_space<hbm>>) target_semaphore(%run_scoped3A_18 : memref<!tpu.dma_semaphore, #tpu.memory_space<semaphore_mem>>)
      %dma_wait3A = arith.constant 0 : i32
      %dma_wait3A_24 = tpu.memref_slice %arg4[%add3A, %run_scoped3A_17, %dma_wait3A] : memref<32x2x10240xf32, #tpu.memory_space<hbm>> -> memref<1x1x10240xf32, #tpu.memory_space<hbm>>
      %dma_wait3A_25 = tpu.memref_squeeze %dma_wait3A_24 : memref<1x1x10240xf32, #tpu.memory_space<hbm>> -> memref<10240xf32, #tpu.memory_space<hbm>>
      %dma_wait3A_26 = arith.constant 0 : i32
      %dma_wait3A_27 = tpu.memref_slice %arg4[%add3A, %run_scoped3A_17, %dma_wait3A_26] : memref<32x2x10240xf32, #tpu.memory_space<hbm>> -> memref<1x1x10240xf32, #tpu.memory_space<hbm>>
      %dma_wait3A_28 = tpu.memref_squeeze %dma_wait3A_27 : memref<1x1x10240xf32, #tpu.memory_space<hbm>> -> memref<10240xf32, #tpu.memory_space<hbm>>
      tpu.wait_dma2 semaphore(%run_scoped3A_18 : memref<!tpu.dma_semaphore, #tpu.memory_space<semaphore_mem>>) src(%arg8 : memref<10240xf32, #tpu.memory_space<vmem>>) dst(%dma_wait3A_28 : memref<10240xf32, #tpu.memory_space<hbm>>)
      tpu.yield
    }) : () -> ()
    return
  }
}

#map = affine_map<(d0, d1) -> (0, 0, 0)>
#map1 = affine_map<(d0, d1) -> (0, 0)>
module attributes {stable_mosaic.version = 14 : i64} {
  func.func @_agg_body(%arg0: i32, %arg1: i32, %arg2: memref<32x79x128xi32, #tpu.memory_space<hbm>>, %arg3: memref<32x79x128xi32, #tpu.memory_space<hbm>>, %arg4: memref<10240x128xf32, #tpu.memory_space<hbm>>, %arg5: memref<640x128xf32, #tpu.memory_space<hbm>>, %arg6: memref<2x10240x128xf32, #tpu.memory_space<hbm>>, %arg7: memref<79x128xi32, #tpu.memory_space<vmem>>, %arg8: memref<79x128xi32, #tpu.memory_space<vmem>>, %arg9: memref<128x128xf32, #tpu.memory_space<vmem>>, %arg10: memref<10240x128xf32, #tpu.memory_space<vmem_shared>>, %arg11: memref<!tpu.dma_semaphore, #tpu.memory_space<semaphore_mem>>) attributes {dimension_semantics = [#tpu.dimension_semantics<core_parallel>, #tpu.dimension_semantics<subcore_parallel>], iteration_bounds = array<i64: 2, 16>, scalar_prefetch = 0 : i64, scratch_operands = 5 : i64, tpu.core_type = #tpu.core_type<sc_vector_subcore>, window_params = [{transform_indices = #map}, {transform_indices = #map}, {transform_indices = #map1}, {transform_indices = #map1}, {transform_indices = #map}]} {
    %mul3A = arith.constant 16 : i32
    %mul3A_0 = arith.muli %arg0, %mul3A : i32
    %add3A = arith.addi %mul3A_0, %arg1 : i32
    %mul3A_1 = arith.constant 640 : i32
    %mul3A_2 = arith.muli %arg1, %mul3A_1 : i32
    "tpu.region"() ({
      %run_scoped3A = tpu.sem_alloc : memref<!tpu.dma_semaphore, #tpu.memory_space<semaphore_mem>>
      %dma_start3A = arith.constant 0 : i32
      %dma_start3A_10 = arith.constant 0 : i32
      %dma_start3A_11 = tpu.memref_slice %arg2[%add3A, %dma_start3A, %dma_start3A_10] : memref<32x79x128xi32, #tpu.memory_space<hbm>> -> memref<1x79x128xi32, #tpu.memory_space<hbm>>
      %dma_start3A_12 = tpu.memref_squeeze %dma_start3A_11 : memref<1x79x128xi32, #tpu.memory_space<hbm>> -> memref<79x128xi32, #tpu.memory_space<hbm>>
      %dma_start3A_13 = arith.constant 0 : i32
      %dma_start3A_14 = arith.constant 0 : i32
      %dma_start3A_15 = tpu.memref_slice %arg2[%add3A, %dma_start3A_13, %dma_start3A_14] : memref<32x79x128xi32, #tpu.memory_space<hbm>> -> memref<1x79x128xi32, #tpu.memory_space<hbm>>
      %dma_start3A_16 = tpu.memref_squeeze %dma_start3A_15 : memref<1x79x128xi32, #tpu.memory_space<hbm>> -> memref<79x128xi32, #tpu.memory_space<hbm>>
      tpu.enqueue_dma source(%dma_start3A_16 : memref<79x128xi32, #tpu.memory_space<hbm>>) target(%arg7 : memref<79x128xi32, #tpu.memory_space<vmem>>) target_semaphore(%run_scoped3A : memref<!tpu.dma_semaphore, #tpu.memory_space<semaphore_mem>>)
      %dma_wait3A = arith.constant 0 : i32
      %dma_wait3A_17 = arith.constant 0 : i32
      %dma_wait3A_18 = tpu.memref_slice %arg2[%add3A, %dma_wait3A, %dma_wait3A_17] : memref<32x79x128xi32, #tpu.memory_space<hbm>> -> memref<1x79x128xi32, #tpu.memory_space<hbm>>
      %dma_wait3A_19 = tpu.memref_squeeze %dma_wait3A_18 : memref<1x79x128xi32, #tpu.memory_space<hbm>> -> memref<79x128xi32, #tpu.memory_space<hbm>>
      %dma_wait3A_20 = arith.constant 0 : i32
      %dma_wait3A_21 = arith.constant 0 : i32
      %dma_wait3A_22 = tpu.memref_slice %arg2[%add3A, %dma_wait3A_20, %dma_wait3A_21] : memref<32x79x128xi32, #tpu.memory_space<hbm>> -> memref<1x79x128xi32, #tpu.memory_space<hbm>>
      %dma_wait3A_23 = tpu.memref_squeeze %dma_wait3A_22 : memref<1x79x128xi32, #tpu.memory_space<hbm>> -> memref<79x128xi32, #tpu.memory_space<hbm>>
      tpu.wait_dma2 semaphore(%run_scoped3A : memref<!tpu.dma_semaphore, #tpu.memory_space<semaphore_mem>>) src(%dma_wait3A_23 : memref<79x128xi32, #tpu.memory_space<hbm>>) dst(%arg7 : memref<79x128xi32, #tpu.memory_space<vmem>>)
      tpu.yield
    }) : () -> ()
    "tpu.region"() ({
      %run_scoped3A = tpu.sem_alloc : memref<!tpu.dma_semaphore, #tpu.memory_space<semaphore_mem>>
      %dma_start3A = arith.constant 0 : i32
      %dma_start3A_10 = arith.constant 0 : i32
      %dma_start3A_11 = tpu.memref_slice %arg3[%add3A, %dma_start3A, %dma_start3A_10] : memref<32x79x128xi32, #tpu.memory_space<hbm>> -> memref<1x79x128xi32, #tpu.memory_space<hbm>>
      %dma_start3A_12 = tpu.memref_squeeze %dma_start3A_11 : memref<1x79x128xi32, #tpu.memory_space<hbm>> -> memref<79x128xi32, #tpu.memory_space<hbm>>
      %dma_start3A_13 = arith.constant 0 : i32
      %dma_start3A_14 = arith.constant 0 : i32
      %dma_start3A_15 = tpu.memref_slice %arg3[%add3A, %dma_start3A_13, %dma_start3A_14] : memref<32x79x128xi32, #tpu.memory_space<hbm>> -> memref<1x79x128xi32, #tpu.memory_space<hbm>>
      %dma_start3A_16 = tpu.memref_squeeze %dma_start3A_15 : memref<1x79x128xi32, #tpu.memory_space<hbm>> -> memref<79x128xi32, #tpu.memory_space<hbm>>
      tpu.enqueue_dma source(%dma_start3A_16 : memref<79x128xi32, #tpu.memory_space<hbm>>) target(%arg8 : memref<79x128xi32, #tpu.memory_space<vmem>>) target_semaphore(%run_scoped3A : memref<!tpu.dma_semaphore, #tpu.memory_space<semaphore_mem>>)
      %dma_wait3A = arith.constant 0 : i32
      %dma_wait3A_17 = arith.constant 0 : i32
      %dma_wait3A_18 = tpu.memref_slice %arg3[%add3A, %dma_wait3A, %dma_wait3A_17] : memref<32x79x128xi32, #tpu.memory_space<hbm>> -> memref<1x79x128xi32, #tpu.memory_space<hbm>>
      %dma_wait3A_19 = tpu.memref_squeeze %dma_wait3A_18 : memref<1x79x128xi32, #tpu.memory_space<hbm>> -> memref<79x128xi32, #tpu.memory_space<hbm>>
      %dma_wait3A_20 = arith.constant 0 : i32
      %dma_wait3A_21 = arith.constant 0 : i32
      %dma_wait3A_22 = tpu.memref_slice %arg3[%add3A, %dma_wait3A_20, %dma_wait3A_21] : memref<32x79x128xi32, #tpu.memory_space<hbm>> -> memref<1x79x128xi32, #tpu.memory_space<hbm>>
      %dma_wait3A_23 = tpu.memref_squeeze %dma_wait3A_22 : memref<1x79x128xi32, #tpu.memory_space<hbm>> -> memref<79x128xi32, #tpu.memory_space<hbm>>
      tpu.wait_dma2 semaphore(%run_scoped3A : memref<!tpu.dma_semaphore, #tpu.memory_space<semaphore_mem>>) src(%dma_wait3A_23 : memref<79x128xi32, #tpu.memory_space<hbm>>) dst(%arg8 : memref<79x128xi32, #tpu.memory_space<vmem>>)
      tpu.yield
    }) : () -> ()
    "tpu.region"() ({
      %run_scoped3A = tpu.sem_alloc : memref<!tpu.dma_semaphore, #tpu.memory_space<semaphore_mem>>
      %dma_start3A = arith.constant 0 : i32
      %dma_start3A_10 = tpu.memref_slice %arg10[%mul3A_2, %dma_start3A] : memref<10240x128xf32, #tpu.memory_space<vmem_shared>> -> memref<640x128xf32, #tpu.memory_space<vmem_shared>>
      tpu.enqueue_dma source(%arg5 : memref<640x128xf32, #tpu.memory_space<hbm>>) target(%dma_start3A_10 : memref<640x128xf32, #tpu.memory_space<vmem_shared>>) target_semaphore(%run_scoped3A : memref<!tpu.dma_semaphore, #tpu.memory_space<semaphore_mem>>)
      %dma_wait3A = arith.constant 0 : i32
      %dma_wait3A_11 = tpu.memref_slice %arg10[%mul3A_2, %dma_wait3A] : memref<10240x128xf32, #tpu.memory_space<vmem_shared>> -> memref<640x128xf32, #tpu.memory_space<vmem_shared>>
      tpu.wait_dma2 semaphore(%run_scoped3A : memref<!tpu.dma_semaphore, #tpu.memory_space<semaphore_mem>>) src(%arg5 : memref<640x128xf32, #tpu.memory_space<hbm>>) dst(%dma_wait3A_11 : memref<640x128xf32, #tpu.memory_space<vmem_shared>>)
      tpu.yield
    }) : () -> ()
    %barrier3A = arith.constant 0 : index
    tpu.barrier barrier_id(%barrier3A)
    %scan3A = arith.constant 0 : i32
    %scan3A_3 = arith.constant 0 : i32
    %scan3A_4 = arith.constant 79 : i32
    %scan3A_5 = arith.addi %scan3A_3, %scan3A_4 : i32
    %scan3A_6 = arith.constant 1 : i32
    %scan3A_7 = scf.for %scan3A_10 = %scan3A_3 to %scan3A_5 step %scan3A_6 iter_args(%scan3A_11 = %scan3A) -> (i32)  : i32 {
      %dma_start3A = arith.constant 0 : i32
      %dma_start3A_12 = tpu.memref_slice %arg7[%scan3A_10, %dma_start3A] : memref<79x128xi32, #tpu.memory_space<vmem>> -> memref<1x128xi32, #tpu.memory_space<vmem>>
      %dma_start3A_13 = tpu.memref_squeeze %dma_start3A_12 : memref<1x128xi32, #tpu.memory_space<vmem>> -> memref<128xi32, #tpu.memory_space<vmem>>
      %dma_start3A_14 = arith.constant 0 : i32
      %dma_start3A_15 = arith.constant 0 : i32
      %dma_start3A_16 = tpu.memref_slice %arg4[%dma_start3A_14, %dma_start3A_15] : memref<10240x128xf32, #tpu.memory_space<hbm>> -> memref<10240x128xf32, #tpu.memory_space<hbm>>
      tpu.enqueue_indirect_dma source(%dma_start3A_16 : memref<10240x128xf32, #tpu.memory_space<hbm>>) target(%arg9 : memref<128x128xf32, #tpu.memory_space<vmem>>) offsets(%dma_start3A_13 : memref<128xi32, #tpu.memory_space<vmem>>) semaphore(%arg11 : memref<!tpu.dma_semaphore, #tpu.memory_space<semaphore_mem>>)
      %dma_wait3A = arith.constant 0 : i32
      %dma_wait3A_17 = tpu.memref_slice %arg7[%scan3A_10, %dma_wait3A] : memref<79x128xi32, #tpu.memory_space<vmem>> -> memref<1x128xi32, #tpu.memory_space<vmem>>
      %dma_wait3A_18 = tpu.memref_squeeze %dma_wait3A_17 : memref<1x128xi32, #tpu.memory_space<vmem>> -> memref<128xi32, #tpu.memory_space<vmem>>
      %dma_wait3A_19 = arith.constant 0 : i32
      %dma_wait3A_20 = arith.constant 0 : i32
      %dma_wait3A_21 = tpu.memref_slice %arg4[%dma_wait3A_19, %dma_wait3A_20] : memref<10240x128xf32, #tpu.memory_space<hbm>> -> memref<10240x128xf32, #tpu.memory_space<hbm>>
      tpu.wait_indirect_dma semaphore(%arg11 : memref<!tpu.dma_semaphore, #tpu.memory_space<semaphore_mem>>) src(%dma_wait3A_21 : memref<10240x128xf32, #tpu.memory_space<hbm>>) dst(%arg9 : memref<128x128xf32, #tpu.memory_space<vmem>>)
      "tpu.region"() ({
        %run_scoped3A = tpu.sem_alloc : memref<!tpu.dma_semaphore, #tpu.memory_space<semaphore_mem>>
        %dma_start3A_23 = arith.constant 0 : i32
        %dma_start3A_24 = tpu.memref_slice %arg8[%scan3A_10, %dma_start3A_23] : memref<79x128xi32, #tpu.memory_space<vmem>> -> memref<1x128xi32, #tpu.memory_space<vmem>>
        %dma_start3A_25 = tpu.memref_squeeze %dma_start3A_24 : memref<1x128xi32, #tpu.memory_space<vmem>> -> memref<128xi32, #tpu.memory_space<vmem>>
        %dma_start3A_26 = arith.constant 0 : i32
        %dma_start3A_27 = arith.constant 0 : i32
        %dma_start3A_28 = tpu.memref_slice %arg10[%dma_start3A_26, %dma_start3A_27] : memref<10240x128xf32, #tpu.memory_space<vmem_shared>> -> memref<10240x128xf32, #tpu.memory_space<vmem_shared>>
        tpu.enqueue_indirect_dma source(%arg9 : memref<128x128xf32, #tpu.memory_space<vmem>>) target(%dma_start3A_28 : memref<10240x128xf32, #tpu.memory_space<vmem_shared>>) offsets(%dma_start3A_25 : memref<128xi32, #tpu.memory_space<vmem>>) semaphore(%run_scoped3A : memref<!tpu.dma_semaphore, #tpu.memory_space<semaphore_mem>>) {add = true}
        %dma_wait3A_29 = arith.constant 0 : i32
        %dma_wait3A_30 = tpu.memref_slice %arg8[%scan3A_10, %dma_wait3A_29] : memref<79x128xi32, #tpu.memory_space<vmem>> -> memref<1x128xi32, #tpu.memory_space<vmem>>
        %dma_wait3A_31 = tpu.memref_squeeze %dma_wait3A_30 : memref<1x128xi32, #tpu.memory_space<vmem>> -> memref<128xi32, #tpu.memory_space<vmem>>
        %dma_wait3A_32 = arith.constant 0 : i32
        %dma_wait3A_33 = arith.constant 0 : i32
        %dma_wait3A_34 = tpu.memref_slice %arg10[%dma_wait3A_32, %dma_wait3A_33] : memref<10240x128xf32, #tpu.memory_space<vmem_shared>> -> memref<10240x128xf32, #tpu.memory_space<vmem_shared>>
        tpu.wait_indirect_dma semaphore(%run_scoped3A : memref<!tpu.dma_semaphore, #tpu.memory_space<semaphore_mem>>) src(%arg9 : memref<128x128xf32, #tpu.memory_space<vmem>>) dst(%dma_wait3A_34 : memref<10240x128xf32, #tpu.memory_space<vmem_shared>>)
        tpu.yield
      }) : () -> ()
      %scan3A_22 = arith.constant 0 : i32
      scf.yield %scan3A_22 : i32
    }
    %scan3A_8 = arith.constant 79 : i32
    %barrier3A_9 = arith.constant 0 : index
    tpu.barrier barrier_id(%barrier3A_9)
    "tpu.region"() ({
      %run_scoped3A = tpu.sem_alloc : memref<!tpu.dma_semaphore, #tpu.memory_space<semaphore_mem>>
      %dma_start3A = arith.constant 0 : i32
      %dma_start3A_10 = tpu.memref_slice %arg6[%arg0, %mul3A_2, %dma_start3A] : memref<2x10240x128xf32, #tpu.memory_space<hbm>> -> memref<1x640x128xf32, #tpu.memory_space<hbm>>
      %dma_start3A_11 = tpu.memref_squeeze %dma_start3A_10 : memref<1x640x128xf32, #tpu.memory_space<hbm>> -> memref<640x128xf32, #tpu.memory_space<hbm>>
      %dma_start3A_12 = arith.constant 0 : i32
      %dma_start3A_13 = tpu.memref_slice %arg10[%mul3A_2, %dma_start3A_12] : memref<10240x128xf32, #tpu.memory_space<vmem_shared>> -> memref<640x128xf32, #tpu.memory_space<vmem_shared>>
      tpu.enqueue_dma source(%dma_start3A_13 : memref<640x128xf32, #tpu.memory_space<vmem_shared>>) target(%dma_start3A_11 : memref<640x128xf32, #tpu.memory_space<hbm>>) target_semaphore(%run_scoped3A : memref<!tpu.dma_semaphore, #tpu.memory_space<semaphore_mem>>)
      %dma_wait3A = arith.constant 0 : i32
      %dma_wait3A_14 = tpu.memref_slice %arg6[%arg0, %mul3A_2, %dma_wait3A] : memref<2x10240x128xf32, #tpu.memory_space<hbm>> -> memref<1x640x128xf32, #tpu.memory_space<hbm>>
      %dma_wait3A_15 = tpu.memref_squeeze %dma_wait3A_14 : memref<1x640x128xf32, #tpu.memory_space<hbm>> -> memref<640x128xf32, #tpu.memory_space<hbm>>
      %dma_wait3A_16 = arith.constant 0 : i32
      %dma_wait3A_17 = tpu.memref_slice %arg10[%mul3A_2, %dma_wait3A_16] : memref<10240x128xf32, #tpu.memory_space<vmem_shared>> -> memref<640x128xf32, #tpu.memory_space<vmem_shared>>
      tpu.wait_dma2 semaphore(%run_scoped3A : memref<!tpu.dma_semaphore, #tpu.memory_space<semaphore_mem>>) src(%dma_wait3A_17 : memref<640x128xf32, #tpu.memory_space<vmem_shared>>) dst(%dma_wait3A_15 : memref<640x128xf32, #tpu.memory_space<hbm>>)
      tpu.yield
    }) : () -> ()
    return
  }
}

#map = affine_map<(d0, d1) -> (0, 0, 0)>
#map1 = affine_map<(d0, d1) -> (0, 0)>
module attributes {stable_mosaic.version = 14 : i64} {
  func.func @_agg_body(%arg0: i32, %arg1: i32, %arg2: memref<32x79x128xi32, #tpu.memory_space<hbm>>, %arg3: memref<32x79x128xi32, #tpu.memory_space<hbm>>, %arg4: memref<10240x128xf32, #tpu.memory_space<hbm>>, %arg5: memref<640x128xf32, #tpu.memory_space<hbm>>, %arg6: memref<2x10240x128xf32, #tpu.memory_space<hbm>>, %arg7: memref<79x128xi32, #tpu.memory_space<vmem>>, %arg8: memref<79x128xi32, #tpu.memory_space<vmem>>, %arg9: memref<128x128xf32, #tpu.memory_space<vmem>>, %arg10: memref<10240x128xf32, #tpu.memory_space<vmem_shared>>, %arg11: memref<!tpu.dma_semaphore, #tpu.memory_space<semaphore_mem>>) attributes {dimension_semantics = [#tpu.dimension_semantics<core_parallel>, #tpu.dimension_semantics<subcore_parallel>], iteration_bounds = array<i64: 2, 16>, scalar_prefetch = 0 : i64, scratch_operands = 5 : i64, tpu.core_type = #tpu.core_type<sc_vector_subcore>, window_params = [{transform_indices = #map}, {transform_indices = #map}, {transform_indices = #map1}, {transform_indices = #map1}, {transform_indices = #map}]} {
    %mul3A = arith.constant 16 : i32
    %mul3A_0 = arith.muli %arg0, %mul3A : i32
    %add3A = arith.addi %mul3A_0, %arg1 : i32
    %mul3A_1 = arith.constant 640 : i32
    %mul3A_2 = arith.muli %arg1, %mul3A_1 : i32
    "tpu.region"() ({
      %run_scoped3A = tpu.sem_alloc : memref<!tpu.dma_semaphore, #tpu.memory_space<semaphore_mem>>
      %dma_start3A = arith.constant 0 : i32
      %dma_start3A_10 = arith.constant 0 : i32
      %dma_start3A_11 = tpu.memref_slice %arg2[%add3A, %dma_start3A, %dma_start3A_10] : memref<32x79x128xi32, #tpu.memory_space<hbm>> -> memref<1x79x128xi32, #tpu.memory_space<hbm>>
      %dma_start3A_12 = tpu.memref_squeeze %dma_start3A_11 : memref<1x79x128xi32, #tpu.memory_space<hbm>> -> memref<79x128xi32, #tpu.memory_space<hbm>>
      %dma_start3A_13 = arith.constant 0 : i32
      %dma_start3A_14 = arith.constant 0 : i32
      %dma_start3A_15 = tpu.memref_slice %arg2[%add3A, %dma_start3A_13, %dma_start3A_14] : memref<32x79x128xi32, #tpu.memory_space<hbm>> -> memref<1x79x128xi32, #tpu.memory_space<hbm>>
      %dma_start3A_16 = tpu.memref_squeeze %dma_start3A_15 : memref<1x79x128xi32, #tpu.memory_space<hbm>> -> memref<79x128xi32, #tpu.memory_space<hbm>>
      tpu.enqueue_dma source(%dma_start3A_16 : memref<79x128xi32, #tpu.memory_space<hbm>>) target(%arg7 : memref<79x128xi32, #tpu.memory_space<vmem>>) target_semaphore(%run_scoped3A : memref<!tpu.dma_semaphore, #tpu.memory_space<semaphore_mem>>)
      %dma_wait3A = arith.constant 0 : i32
      %dma_wait3A_17 = arith.constant 0 : i32
      %dma_wait3A_18 = tpu.memref_slice %arg2[%add3A, %dma_wait3A, %dma_wait3A_17] : memref<32x79x128xi32, #tpu.memory_space<hbm>> -> memref<1x79x128xi32, #tpu.memory_space<hbm>>
      %dma_wait3A_19 = tpu.memref_squeeze %dma_wait3A_18 : memref<1x79x128xi32, #tpu.memory_space<hbm>> -> memref<79x128xi32, #tpu.memory_space<hbm>>
      %dma_wait3A_20 = arith.constant 0 : i32
      %dma_wait3A_21 = arith.constant 0 : i32
      %dma_wait3A_22 = tpu.memref_slice %arg2[%add3A, %dma_wait3A_20, %dma_wait3A_21] : memref<32x79x128xi32, #tpu.memory_space<hbm>> -> memref<1x79x128xi32, #tpu.memory_space<hbm>>
      %dma_wait3A_23 = tpu.memref_squeeze %dma_wait3A_22 : memref<1x79x128xi32, #tpu.memory_space<hbm>> -> memref<79x128xi32, #tpu.memory_space<hbm>>
      tpu.wait_dma2 semaphore(%run_scoped3A : memref<!tpu.dma_semaphore, #tpu.memory_space<semaphore_mem>>) src(%dma_wait3A_23 : memref<79x128xi32, #tpu.memory_space<hbm>>) dst(%arg7 : memref<79x128xi32, #tpu.memory_space<vmem>>)
      tpu.yield
    }) : () -> ()
    "tpu.region"() ({
      %run_scoped3A = tpu.sem_alloc : memref<!tpu.dma_semaphore, #tpu.memory_space<semaphore_mem>>
      %dma_start3A = arith.constant 0 : i32
      %dma_start3A_10 = arith.constant 0 : i32
      %dma_start3A_11 = tpu.memref_slice %arg3[%add3A, %dma_start3A, %dma_start3A_10] : memref<32x79x128xi32, #tpu.memory_space<hbm>> -> memref<1x79x128xi32, #tpu.memory_space<hbm>>
      %dma_start3A_12 = tpu.memref_squeeze %dma_start3A_11 : memref<1x79x128xi32, #tpu.memory_space<hbm>> -> memref<79x128xi32, #tpu.memory_space<hbm>>
      %dma_start3A_13 = arith.constant 0 : i32
      %dma_start3A_14 = arith.constant 0 : i32
      %dma_start3A_15 = tpu.memref_slice %arg3[%add3A, %dma_start3A_13, %dma_start3A_14] : memref<32x79x128xi32, #tpu.memory_space<hbm>> -> memref<1x79x128xi32, #tpu.memory_space<hbm>>
      %dma_start3A_16 = tpu.memref_squeeze %dma_start3A_15 : memref<1x79x128xi32, #tpu.memory_space<hbm>> -> memref<79x128xi32, #tpu.memory_space<hbm>>
      tpu.enqueue_dma source(%dma_start3A_16 : memref<79x128xi32, #tpu.memory_space<hbm>>) target(%arg8 : memref<79x128xi32, #tpu.memory_space<vmem>>) target_semaphore(%run_scoped3A : memref<!tpu.dma_semaphore, #tpu.memory_space<semaphore_mem>>)
      %dma_wait3A = arith.constant 0 : i32
      %dma_wait3A_17 = arith.constant 0 : i32
      %dma_wait3A_18 = tpu.memref_slice %arg3[%add3A, %dma_wait3A, %dma_wait3A_17] : memref<32x79x128xi32, #tpu.memory_space<hbm>> -> memref<1x79x128xi32, #tpu.memory_space<hbm>>
      %dma_wait3A_19 = tpu.memref_squeeze %dma_wait3A_18 : memref<1x79x128xi32, #tpu.memory_space<hbm>> -> memref<79x128xi32, #tpu.memory_space<hbm>>
      %dma_wait3A_20 = arith.constant 0 : i32
      %dma_wait3A_21 = arith.constant 0 : i32
      %dma_wait3A_22 = tpu.memref_slice %arg3[%add3A, %dma_wait3A_20, %dma_wait3A_21] : memref<32x79x128xi32, #tpu.memory_space<hbm>> -> memref<1x79x128xi32, #tpu.memory_space<hbm>>
      %dma_wait3A_23 = tpu.memref_squeeze %dma_wait3A_22 : memref<1x79x128xi32, #tpu.memory_space<hbm>> -> memref<79x128xi32, #tpu.memory_space<hbm>>
      tpu.wait_dma2 semaphore(%run_scoped3A : memref<!tpu.dma_semaphore, #tpu.memory_space<semaphore_mem>>) src(%dma_wait3A_23 : memref<79x128xi32, #tpu.memory_space<hbm>>) dst(%arg8 : memref<79x128xi32, #tpu.memory_space<vmem>>)
      tpu.yield
    }) : () -> ()
    "tpu.region"() ({
      %run_scoped3A = tpu.sem_alloc : memref<!tpu.dma_semaphore, #tpu.memory_space<semaphore_mem>>
      %dma_start3A = arith.constant 0 : i32
      %dma_start3A_10 = tpu.memref_slice %arg10[%mul3A_2, %dma_start3A] : memref<10240x128xf32, #tpu.memory_space<vmem_shared>> -> memref<640x128xf32, #tpu.memory_space<vmem_shared>>
      tpu.enqueue_dma source(%arg5 : memref<640x128xf32, #tpu.memory_space<hbm>>) target(%dma_start3A_10 : memref<640x128xf32, #tpu.memory_space<vmem_shared>>) target_semaphore(%run_scoped3A : memref<!tpu.dma_semaphore, #tpu.memory_space<semaphore_mem>>)
      %dma_wait3A = arith.constant 0 : i32
      %dma_wait3A_11 = tpu.memref_slice %arg10[%mul3A_2, %dma_wait3A] : memref<10240x128xf32, #tpu.memory_space<vmem_shared>> -> memref<640x128xf32, #tpu.memory_space<vmem_shared>>
      tpu.wait_dma2 semaphore(%run_scoped3A : memref<!tpu.dma_semaphore, #tpu.memory_space<semaphore_mem>>) src(%arg5 : memref<640x128xf32, #tpu.memory_space<hbm>>) dst(%dma_wait3A_11 : memref<640x128xf32, #tpu.memory_space<vmem_shared>>)
      tpu.yield
    }) : () -> ()
    %barrier3A = arith.constant 0 : index
    tpu.barrier barrier_id(%barrier3A)
    %scan3A = arith.constant 0 : i32
    %scan3A_3 = arith.constant 0 : i32
    %scan3A_4 = arith.constant 79 : i32
    %scan3A_5 = arith.addi %scan3A_3, %scan3A_4 : i32
    %scan3A_6 = arith.constant 1 : i32
    %scan3A_7 = scf.for %scan3A_10 = %scan3A_3 to %scan3A_5 step %scan3A_6 iter_args(%scan3A_11 = %scan3A) -> (i32)  : i32 {
      %dma_start3A = arith.constant 0 : i32
      %dma_start3A_12 = tpu.memref_slice %arg7[%scan3A_10, %dma_start3A] : memref<79x128xi32, #tpu.memory_space<vmem>> -> memref<1x128xi32, #tpu.memory_space<vmem>>
      %dma_start3A_13 = tpu.memref_squeeze %dma_start3A_12 : memref<1x128xi32, #tpu.memory_space<vmem>> -> memref<128xi32, #tpu.memory_space<vmem>>
      %dma_start3A_14 = arith.constant 0 : i32
      %dma_start3A_15 = arith.constant 0 : i32
      %dma_start3A_16 = tpu.memref_slice %arg4[%dma_start3A_14, %dma_start3A_15] : memref<10240x128xf32, #tpu.memory_space<hbm>> -> memref<10240x128xf32, #tpu.memory_space<hbm>>
      tpu.enqueue_indirect_dma source(%dma_start3A_16 : memref<10240x128xf32, #tpu.memory_space<hbm>>) target(%arg9 : memref<128x128xf32, #tpu.memory_space<vmem>>) offsets(%dma_start3A_13 : memref<128xi32, #tpu.memory_space<vmem>>) semaphore(%arg11 : memref<!tpu.dma_semaphore, #tpu.memory_space<semaphore_mem>>)
      %dma_wait3A = arith.constant 0 : i32
      %dma_wait3A_17 = tpu.memref_slice %arg7[%scan3A_10, %dma_wait3A] : memref<79x128xi32, #tpu.memory_space<vmem>> -> memref<1x128xi32, #tpu.memory_space<vmem>>
      %dma_wait3A_18 = tpu.memref_squeeze %dma_wait3A_17 : memref<1x128xi32, #tpu.memory_space<vmem>> -> memref<128xi32, #tpu.memory_space<vmem>>
      %dma_wait3A_19 = arith.constant 0 : i32
      %dma_wait3A_20 = arith.constant 0 : i32
      %dma_wait3A_21 = tpu.memref_slice %arg4[%dma_wait3A_19, %dma_wait3A_20] : memref<10240x128xf32, #tpu.memory_space<hbm>> -> memref<10240x128xf32, #tpu.memory_space<hbm>>
      tpu.wait_indirect_dma semaphore(%arg11 : memref<!tpu.dma_semaphore, #tpu.memory_space<semaphore_mem>>) src(%dma_wait3A_21 : memref<10240x128xf32, #tpu.memory_space<hbm>>) dst(%arg9 : memref<128x128xf32, #tpu.memory_space<vmem>>)
      "tpu.region"() ({
        %run_scoped3A = tpu.sem_alloc : memref<!tpu.dma_semaphore, #tpu.memory_space<semaphore_mem>>
        %dma_start3A_23 = arith.constant 0 : i32
        %dma_start3A_24 = tpu.memref_slice %arg8[%scan3A_10, %dma_start3A_23] : memref<79x128xi32, #tpu.memory_space<vmem>> -> memref<1x128xi32, #tpu.memory_space<vmem>>
        %dma_start3A_25 = tpu.memref_squeeze %dma_start3A_24 : memref<1x128xi32, #tpu.memory_space<vmem>> -> memref<128xi32, #tpu.memory_space<vmem>>
        %dma_start3A_26 = arith.constant 0 : i32
        %dma_start3A_27 = arith.constant 0 : i32
        %dma_start3A_28 = tpu.memref_slice %arg10[%dma_start3A_26, %dma_start3A_27] : memref<10240x128xf32, #tpu.memory_space<vmem_shared>> -> memref<10240x128xf32, #tpu.memory_space<vmem_shared>>
        tpu.enqueue_indirect_dma source(%arg9 : memref<128x128xf32, #tpu.memory_space<vmem>>) target(%dma_start3A_28 : memref<10240x128xf32, #tpu.memory_space<vmem_shared>>) offsets(%dma_start3A_25 : memref<128xi32, #tpu.memory_space<vmem>>) semaphore(%run_scoped3A : memref<!tpu.dma_semaphore, #tpu.memory_space<semaphore_mem>>) {add = true}
        %dma_wait3A_29 = arith.constant 0 : i32
        %dma_wait3A_30 = tpu.memref_slice %arg8[%scan3A_10, %dma_wait3A_29] : memref<79x128xi32, #tpu.memory_space<vmem>> -> memref<1x128xi32, #tpu.memory_space<vmem>>
        %dma_wait3A_31 = tpu.memref_squeeze %dma_wait3A_30 : memref<1x128xi32, #tpu.memory_space<vmem>> -> memref<128xi32, #tpu.memory_space<vmem>>
        %dma_wait3A_32 = arith.constant 0 : i32
        %dma_wait3A_33 = arith.constant 0 : i32
        %dma_wait3A_34 = tpu.memref_slice %arg10[%dma_wait3A_32, %dma_wait3A_33] : memref<10240x128xf32, #tpu.memory_space<vmem_shared>> -> memref<10240x128xf32, #tpu.memory_space<vmem_shared>>
        tpu.wait_indirect_dma semaphore(%run_scoped3A : memref<!tpu.dma_semaphore, #tpu.memory_space<semaphore_mem>>) src(%arg9 : memref<128x128xf32, #tpu.memory_space<vmem>>) dst(%dma_wait3A_34 : memref<10240x128xf32, #tpu.memory_space<vmem_shared>>)
        tpu.yield
      }) : () -> ()
      %scan3A_22 = arith.constant 0 : i32
      scf.yield %scan3A_22 : i32
    }
    %scan3A_8 = arith.constant 79 : i32
    %barrier3A_9 = arith.constant 0 : index
    tpu.barrier barrier_id(%barrier3A_9)
    "tpu.region"() ({
      %run_scoped3A = tpu.sem_alloc : memref<!tpu.dma_semaphore, #tpu.memory_space<semaphore_mem>>
      %dma_start3A = arith.constant 0 : i32
      %dma_start3A_10 = tpu.memref_slice %arg6[%arg0, %mul3A_2, %dma_start3A] : memref<2x10240x128xf32, #tpu.memory_space<hbm>> -> memref<1x640x128xf32, #tpu.memory_space<hbm>>
      %dma_start3A_11 = tpu.memref_squeeze %dma_start3A_10 : memref<1x640x128xf32, #tpu.memory_space<hbm>> -> memref<640x128xf32, #tpu.memory_space<hbm>>
      %dma_start3A_12 = arith.constant 0 : i32
      %dma_start3A_13 = tpu.memref_slice %arg10[%mul3A_2, %dma_start3A_12] : memref<10240x128xf32, #tpu.memory_space<vmem_shared>> -> memref<640x128xf32, #tpu.memory_space<vmem_shared>>
      tpu.enqueue_dma source(%dma_start3A_13 : memref<640x128xf32, #tpu.memory_space<vmem_shared>>) target(%dma_start3A_11 : memref<640x128xf32, #tpu.memory_space<hbm>>) target_semaphore(%run_scoped3A : memref<!tpu.dma_semaphore, #tpu.memory_space<semaphore_mem>>)
      %dma_wait3A = arith.constant 0 : i32
      %dma_wait3A_14 = tpu.memref_slice %arg6[%arg0, %mul3A_2, %dma_wait3A] : memref<2x10240x128xf32, #tpu.memory_space<hbm>> -> memref<1x640x128xf32, #tpu.memory_space<hbm>>
      %dma_wait3A_15 = tpu.memref_squeeze %dma_wait3A_14 : memref<1x640x128xf32, #tpu.memory_space<hbm>> -> memref<640x128xf32, #tpu.memory_space<hbm>>
      %dma_wait3A_16 = arith.constant 0 : i32
      %dma_wait3A_17 = tpu.memref_slice %arg10[%mul3A_2, %dma_wait3A_16] : memref<10240x128xf32, #tpu.memory_space<vmem_shared>> -> memref<640x128xf32, #tpu.memory_space<vmem_shared>>
      tpu.wait_dma2 semaphore(%run_scoped3A : memref<!tpu.dma_semaphore, #tpu.memory_space<semaphore_mem>>) src(%dma_wait3A_17 : memref<640x128xf32, #tpu.memory_space<vmem_shared>>) dst(%dma_wait3A_15 : memref<640x128xf32, #tpu.memory_space<hbm>>)
      tpu.yield
    }) : () -> ()
    return
  }
}

module attributes {stable_mosaic.version = 14 : i64} {
  func.func @_pre_body(%arg0: i32, %arg1: memref<2x1024x1xf32, #tpu.memory_space<vmem>>, %arg2: memref<1024x128xf32, #tpu.memory_space<vmem>>, %arg3: memref<1024x128xf32, #tpu.memory_space<vmem>>, %arg4: memref<1024x1xf32, #tpu.memory_space<vmem>>, %arg5: memref<1024x1xf32, #tpu.memory_space<vmem>>) attributes {dimension_semantics = [#tpu.dimension_semantics<arbitrary>], iteration_bounds = array<i64: 10>, scalar_prefetch = 0 : i64, scratch_operands = 0 : i64, tpu.core_type = #tpu.core_type<tc>, window_params = [{transform_indices = @transform_0, window_bounds = array<i64: 2, 1024, 1>}, {transform_indices = @transform_1, window_bounds = array<i64: 1024, 128>}, {transform_indices = @transform_2, window_bounds = array<i64: 1024, 128>}, {transform_indices = @transform_3, window_bounds = array<i64: 1024, 1>}, {transform_indices = @transform_4, window_bounds = array<i64: 1024, 1>}]} {
    %get3A = arith.constant 0 : index
    %get3A_0 = arith.constant 0 : index
    %get3A_1 = arith.constant 0 : index
    %get3A_2 = vector.load %arg1[%get3A, %get3A_0, %get3A_1] : memref<2x1024x1xf32, #tpu.memory_space<vmem>>, vector<2x1024x1xf32>
    %mul3A = arith.constant 1024 : i32
    %mul3A_3 = arith.muli %arg0, %mul3A : i32
    %iota3A = tpu.iota {dimensions = array<i32: 0>} : vector<1024x1xi32>
    %add3A = vector.broadcast %mul3A_3 : i32 to vector<1024x1xi32>
    %add3A_4 = arith.addi %add3A, %iota3A : vector<1024x1xi32>
    %lt3A = arith.constant 10000 : i32
    %lt3A_5 = vector.broadcast %lt3A : i32 to vector<1024x1xi32>
    %lt3A_6 = arith.cmpi slt, %add3A_4, %lt3A_5 : vector<1024x1xi32>
    %slice3A = vector.extract_strided_slice %get3A_2 {offsets = [0, 0, 0], sizes = [1, 1024, 1], strides = [1, 1, 1]} : vector<2x1024x1xf32> to vector<1x1024x1xf32>
    %squeeze3A = vector.shape_cast %slice3A : vector<1x1024x1xf32> to vector<1024x1xf32>
    %max3A = arith.constant 1.000000e+00 : f32
    %max3A_7 = vector.broadcast %max3A : f32 to vector<1024x1xf32>
    %max3A_8 = arith.maximumf %squeeze3A, %max3A_7 : vector<1024x1xf32>
    %rsqrt3A = math.rsqrt %max3A_8 : vector<1024x1xf32>
    %jit3A = arith.constant 0.000000e+00 : f32
    %broadcast_in_dim3A = vector.broadcast %jit3A : f32 to vector<1024x1xf32>
    %select_n3A = arith.select %lt3A_6, %rsqrt3A, %broadcast_in_dim3A : vector<1024x1xi1>, vector<1024x1xf32>
    %slice3A_9 = vector.extract_strided_slice %get3A_2 {offsets = [1, 0, 0], sizes = [1, 1024, 1], strides = [1, 1, 1]} : vector<2x1024x1xf32> to vector<1x1024x1xf32>
    %squeeze3A_10 = vector.shape_cast %slice3A_9 : vector<1x1024x1xf32> to vector<1024x1xf32>
    %max3A_11 = arith.constant 1.000000e+00 : f32
    %max3A_12 = vector.broadcast %max3A_11 : f32 to vector<1024x1xf32>
    %max3A_13 = arith.maximumf %squeeze3A_10, %max3A_12 : vector<1024x1xf32>
    %rsqrt3A_14 = math.rsqrt %max3A_13 : vector<1024x1xf32>
    %jit3A_15 = arith.constant 0.000000e+00 : f32
    %broadcast_in_dim3A_16 = vector.broadcast %jit3A_15 : f32 to vector<1024x1xf32>
    %select_n3A_17 = arith.select %lt3A_6, %rsqrt3A_14, %broadcast_in_dim3A_16 : vector<1024x1xi1>, vector<1024x1xf32>
    %swap3A = arith.constant 0 : index
    %swap3A_18 = arith.constant 0 : index
    %swap3A_19 = vector.load %arg4[%swap3A, %swap3A_18] : memref<1024x1xf32, #tpu.memory_space<vmem>>, vector<1024x1xf32>
    tpu.vector_store %arg4[%swap3A, %swap3A_18], %select_n3A {strides = array<i32>} : memref<1024x1xf32, #tpu.memory_space<vmem>>, vector<1024x1xf32>,
    %swap3A_20 = arith.constant 0 : index
    %swap3A_21 = arith.constant 0 : index
    %swap3A_22 = vector.load %arg5[%swap3A_20, %swap3A_21] : memref<1024x1xf32, #tpu.memory_space<vmem>>, vector<1024x1xf32>
    tpu.vector_store %arg5[%swap3A_20, %swap3A_21], %select_n3A_17 {strides = array<i32>} : memref<1024x1xf32, #tpu.memory_space<vmem>>, vector<1024x1xf32>,
    %get3A_23 = arith.constant 0 : index
    %get3A_24 = arith.constant 0 : index
    %get3A_25 = vector.load %arg2[%get3A_23, %get3A_24] : memref<1024x128xf32, #tpu.memory_space<vmem>>, vector<1024x128xf32>
    %mul3A_26 = vector.broadcast %select_n3A : vector<1024x1xf32> to vector<1024x128xf32>
    %mul3A_27 = arith.mulf %get3A_25, %mul3A_26 : vector<1024x128xf32>
    %swap3A_28 = arith.constant 0 : index
    %swap3A_29 = arith.constant 0 : index
    %swap3A_30 = vector.load %arg3[%swap3A_28, %swap3A_29] : memref<1024x128xf32, #tpu.memory_space<vmem>>, vector<1024x128xf32>
    tpu.vector_store %arg3[%swap3A_28, %swap3A_29], %mul3A_27 {strides = array<i32>} : memref<1024x128xf32, #tpu.memory_space<vmem>>, vector<1024x128xf32>,
    return
  }
  func.func @transform_0(%arg0: i32) -> (i32, i32, i32) {
    %c0_i32 = arith.constant 0 : i32
    %c0_i32_0 = arith.constant 0 : i32
    %c0_i32_1 = arith.constant 0 : i32
    return %c0_i32, %arg0, %c0_i32_0 : i32, i32, i32
  }
  func.func @transform_1(%arg0: i32) -> (i32, i32) {
    %c0_i32 = arith.constant 0 : i32
    %c0_i32_0 = arith.constant 0 : i32
    return %arg0, %c0_i32 : i32, i32
  }
  func.func @transform_2(%arg0: i32) -> (i32, i32) {
    %c0_i32 = arith.constant 0 : i32
    %c0_i32_0 = arith.constant 0 : i32
    return %arg0, %c0_i32 : i32, i32
  }
  func.func @transform_3(%arg0: i32) -> (i32, i32) {
    %c0_i32 = arith.constant 0 : i32
    %c0_i32_0 = arith.constant 0 : i32
    return %arg0, %c0_i32 : i32, i32
  }
  func.func @transform_4(%arg0: i32) -> (i32, i32) {
    %c0_i32 = arith.constant 0 : i32
    %c0_i32_0 = arith.constant 0 : i32
    return %arg0, %c0_i32 : i32, i32
  }
}

module attributes {stable_mosaic.version = 14 : i64} {
  func.func @_red_body(%arg0: memref<32x2x10240xf32, #tpu.memory_space<vmem>>, %arg1: memref<2x10240xf32, #tpu.memory_space<vmem>>) attributes {dimension_semantics = [], scalar_prefetch = 0 : i64, scratch_operands = 0 : i64, tpu.core_type = #tpu.core_type<tc>} {
    %get3A = arith.constant 0 : index
    %get3A_0 = arith.constant 0 : index
    %get3A_1 = arith.constant 0 : index
    %get3A_2 = vector.load %arg0[%get3A, %get3A_0, %get3A_1] : memref<32x2x10240xf32, #tpu.memory_space<vmem>>, vector<32x2x10240xf32>
    %reduce_sum3A = arith.constant dense<0.000000e+00> : vector<2x10240xf32>
    %reduce_sum3A_3 = vector.multi_reduction <add>, %get3A_2, %reduce_sum3A [0] : vector<32x2x10240xf32> to vector<2x10240xf32>
    %swap3A = arith.constant 0 : index
    %swap3A_4 = arith.constant 0 : index
    %swap3A_5 = vector.load %arg1[%swap3A, %swap3A_4] : memref<2x10240xf32, #tpu.memory_space<vmem>>, vector<2x10240xf32>
    tpu.vector_store %arg1[%swap3A, %swap3A_4], %reduce_sum3A_3 {strides = array<i32>} : memref<2x10240xf32, #tpu.memory_space<vmem>>, vector<2x10240xf32>,
    return
  }
}

module attributes {stable_mosaic.version = 14 : i64} {
  func.func @_layer_body(%arg0: i32, %arg1: memref<2x1024x128xf32, #tpu.memory_space<vmem>>, %arg2: memref<1024x1xf32, #tpu.memory_space<vmem>>, %arg3: memref<1024x1xf32, #tpu.memory_space<vmem>>, %arg4: memref<128x128xf32, #tpu.memory_space<vmem>>, %arg5: memref<1x128xf32, #tpu.memory_space<vmem>>, %arg6: memref<1024x128xf32, #tpu.memory_space<vmem>>) attributes {dimension_semantics = [#tpu.dimension_semantics<arbitrary>], iteration_bounds = array<i64: 10>, scalar_prefetch = 0 : i64, scratch_operands = 0 : i64, tpu.core_type = #tpu.core_type<tc>, window_params = [{transform_indices = @transform_0, window_bounds = array<i64: 2, 1024, 128>}, {transform_indices = @transform_1, window_bounds = array<i64: 1024, 1>}, {transform_indices = @transform_2, window_bounds = array<i64: 1024, 1>}, {pipeline_mode = #tpu.pipeline_mode<synchronous>, transform_indices = @transform_3, window_bounds = array<i64: 128, 128>}, {pipeline_mode = #tpu.pipeline_mode<synchronous>, transform_indices = @transform_4, window_bounds = array<i64: 1, 128>}, {transform_indices = @transform_5, window_bounds = array<i64: 1024, 128>}]} {
    %get3A = arith.constant 0 : index
    %get3A_0 = arith.constant 0 : index
    %get3A_1 = arith.constant 0 : index
    %get3A_2 = vector.load %arg1[%get3A, %get3A_0, %get3A_1] : memref<2x1024x128xf32, #tpu.memory_space<vmem>>, vector<1x1024x128xf32>
    %get3A_3 = vector.shape_cast %get3A_2 : vector<1x1024x128xf32> to vector<1024x128xf32>
    %get3A_4 = arith.constant 1 : index
    %get3A_5 = arith.constant 0 : index
    %get3A_6 = arith.constant 0 : index
    %get3A_7 = vector.load %arg1[%get3A_4, %get3A_5, %get3A_6] : memref<2x1024x128xf32, #tpu.memory_space<vmem>>, vector<1x1024x128xf32>
    %get3A_8 = vector.shape_cast %get3A_7 : vector<1x1024x128xf32> to vector<1024x128xf32>
    %add3A = arith.addf %get3A_3, %get3A_8 : vector<1024x128xf32>
    %get3A_9 = arith.constant 0 : index
    %get3A_10 = arith.constant 0 : index
    %get3A_11 = vector.load %arg2[%get3A_9, %get3A_10] : memref<1024x1xf32, #tpu.memory_space<vmem>>, vector<1024x1xf32>
    %mul3A = vector.broadcast %get3A_11 : vector<1024x1xf32> to vector<1024x128xf32>
    %mul3A_12 = arith.mulf %add3A, %mul3A : vector<1024x128xf32>
    %get3A_13 = arith.constant 0 : index
    %get3A_14 = arith.constant 0 : index
    %get3A_15 = vector.load %arg4[%get3A_13, %get3A_14] : memref<128x128xf32, #tpu.memory_space<vmem>>, vector<128x128xf32>
    %dot_general3A = arith.constant dense<0.000000e+00> : vector<1024x128xf32>
    %dot_general3A_16 = tpu.matmul %mul3A_12, %get3A_15, %dot_general3A {dimension_numbers = #tpu.dot_dimension_numbers<[1], [0], [0], [1], [0, 0, 1, 1], [], []>, transpose_lhs_hint = false} : vector<1024x128xf32>, vector<128x128xf32>, vector<1024x128xf32> -> vector<1024x128xf32>
    %get3A_17 = arith.constant 0 : index
    %get3A_18 = arith.constant 0 : index
    %get3A_19 = vector.load %arg5[%get3A_17, %get3A_18] : memref<1x128xf32, #tpu.memory_space<vmem>>, vector<1x128xf32>
    %add3A_20 = vector.broadcast %get3A_19 : vector<1x128xf32> to vector<1024x128xf32>
    %add3A_21 = arith.addf %dot_general3A_16, %add3A_20 : vector<1024x128xf32>
    %max3A = arith.constant 0.000000e+00 : f32
    %max3A_22 = vector.broadcast %max3A : f32 to vector<1024x128xf32>
    %max3A_23 = arith.maximumf %add3A_21, %max3A_22 : vector<1024x128xf32>
    %get3A_24 = arith.constant 0 : index
    %get3A_25 = arith.constant 0 : index
    %get3A_26 = vector.load %arg3[%get3A_24, %get3A_25] : memref<1024x1xf32, #tpu.memory_space<vmem>>, vector<1024x1xf32>
    %mul3A_27 = vector.broadcast %get3A_26 : vector<1024x1xf32> to vector<1024x128xf32>
    %mul3A_28 = arith.mulf %max3A_23, %mul3A_27 : vector<1024x128xf32>
    %swap3A = arith.constant 0 : index
    %swap3A_29 = arith.constant 0 : index
    %swap3A_30 = vector.load %arg6[%swap3A, %swap3A_29] : memref<1024x128xf32, #tpu.memory_space<vmem>>, vector<1024x128xf32>
    tpu.vector_store %arg6[%swap3A, %swap3A_29], %mul3A_28 {strides = array<i32>} : memref<1024x128xf32, #tpu.memory_space<vmem>>, vector<1024x128xf32>,
    return
  }
  func.func @transform_0(%arg0: i32) -> (i32, i32, i32) {
    %c0_i32 = arith.constant 0 : i32
    %c0_i32_0 = arith.constant 0 : i32
    %c0_i32_1 = arith.constant 0 : i32
    return %c0_i32, %arg0, %c0_i32_0 : i32, i32, i32
  }
  func.func @transform_1(%arg0: i32) -> (i32, i32) {
    %c0_i32 = arith.constant 0 : i32
    %c0_i32_0 = arith.constant 0 : i32
    return %arg0, %c0_i32 : i32, i32
  }
  func.func @transform_2(%arg0: i32) -> (i32, i32) {
    %c0_i32 = arith.constant 0 : i32
    %c0_i32_0 = arith.constant 0 : i32
    return %arg0, %c0_i32 : i32, i32
  }
  func.func @transform_3(%arg0: i32) -> (i32, i32) {
    %c0_i32 = arith.constant 0 : i32
    %c0_i32_0 = arith.constant 0 : i32
    %c0_i32_1 = arith.constant 0 : i32
    return %c0_i32, %c0_i32_0 : i32, i32
  }
  func.func @transform_4(%arg0: i32) -> (i32, i32) {
    %c0_i32 = arith.constant 0 : i32
    %c0_i32_0 = arith.constant 0 : i32
    %c0_i32_1 = arith.constant 0 : i32
    return %c0_i32, %c0_i32_0 : i32, i32
  }
  func.func @transform_5(%arg0: i32) -> (i32, i32) {
    %c0_i32 = arith.constant 0 : i32
    %c0_i32_0 = arith.constant 0 : i32
    return %arg0, %c0_i32 : i32, i32
  }
}

module attributes {stable_mosaic.version = 14 : i64} {
  func.func @_layer_body(%arg0: i32, %arg1: memref<2x1024x128xf32, #tpu.memory_space<vmem>>, %arg2: memref<1024x1xf32, #tpu.memory_space<vmem>>, %arg3: memref<1024x1xf32, #tpu.memory_space<vmem>>, %arg4: memref<128x128xf32, #tpu.memory_space<vmem>>, %arg5: memref<1x128xf32, #tpu.memory_space<vmem>>, %arg6: memref<1024x128xf32, #tpu.memory_space<vmem>>) attributes {dimension_semantics = [#tpu.dimension_semantics<arbitrary>], iteration_bounds = array<i64: 10>, scalar_prefetch = 0 : i64, scratch_operands = 0 : i64, tpu.core_type = #tpu.core_type<tc>, window_params = [{transform_indices = @transform_0, window_bounds = array<i64: 2, 1024, 128>}, {transform_indices = @transform_1, window_bounds = array<i64: 1024, 1>}, {transform_indices = @transform_2, window_bounds = array<i64: 1024, 1>}, {pipeline_mode = #tpu.pipeline_mode<synchronous>, transform_indices = @transform_3, window_bounds = array<i64: 128, 128>}, {pipeline_mode = #tpu.pipeline_mode<synchronous>, transform_indices = @transform_4, window_bounds = array<i64: 1, 128>}, {transform_indices = @transform_5, window_bounds = array<i64: 1024, 128>}]} {
    %get3A = arith.constant 0 : index
    %get3A_0 = arith.constant 0 : index
    %get3A_1 = arith.constant 0 : index
    %get3A_2 = vector.load %arg1[%get3A, %get3A_0, %get3A_1] : memref<2x1024x128xf32, #tpu.memory_space<vmem>>, vector<1x1024x128xf32>
    %get3A_3 = vector.shape_cast %get3A_2 : vector<1x1024x128xf32> to vector<1024x128xf32>
    %get3A_4 = arith.constant 1 : index
    %get3A_5 = arith.constant 0 : index
    %get3A_6 = arith.constant 0 : index
    %get3A_7 = vector.load %arg1[%get3A_4, %get3A_5, %get3A_6] : memref<2x1024x128xf32, #tpu.memory_space<vmem>>, vector<1x1024x128xf32>
    %get3A_8 = vector.shape_cast %get3A_7 : vector<1x1024x128xf32> to vector<1024x128xf32>
    %add3A = arith.addf %get3A_3, %get3A_8 : vector<1024x128xf32>
    %get3A_9 = arith.constant 0 : index
    %get3A_10 = arith.constant 0 : index
    %get3A_11 = vector.load %arg2[%get3A_9, %get3A_10] : memref<1024x1xf32, #tpu.memory_space<vmem>>, vector<1024x1xf32>
    %mul3A = vector.broadcast %get3A_11 : vector<1024x1xf32> to vector<1024x128xf32>
    %mul3A_12 = arith.mulf %add3A, %mul3A : vector<1024x128xf32>
    %get3A_13 = arith.constant 0 : index
    %get3A_14 = arith.constant 0 : index
    %get3A_15 = vector.load %arg4[%get3A_13, %get3A_14] : memref<128x128xf32, #tpu.memory_space<vmem>>, vector<128x128xf32>
    %dot_general3A = arith.constant dense<0.000000e+00> : vector<1024x128xf32>
    %dot_general3A_16 = tpu.matmul %mul3A_12, %get3A_15, %dot_general3A {dimension_numbers = #tpu.dot_dimension_numbers<[1], [0], [0], [1], [0, 0, 1, 1], [], []>, transpose_lhs_hint = false} : vector<1024x128xf32>, vector<128x128xf32>, vector<1024x128xf32> -> vector<1024x128xf32>
    %get3A_17 = arith.constant 0 : index
    %get3A_18 = arith.constant 0 : index
    %get3A_19 = vector.load %arg5[%get3A_17, %get3A_18] : memref<1x128xf32, #tpu.memory_space<vmem>>, vector<1x128xf32>
    %add3A_20 = vector.broadcast %get3A_19 : vector<1x128xf32> to vector<1024x128xf32>
    %add3A_21 = arith.addf %dot_general3A_16, %add3A_20 : vector<1024x128xf32>
    %swap3A = arith.constant 0 : index
    %swap3A_22 = arith.constant 0 : index
    %swap3A_23 = vector.load %arg6[%swap3A, %swap3A_22] : memref<1024x128xf32, #tpu.memory_space<vmem>>, vector<1024x128xf32>
    tpu.vector_store %arg6[%swap3A, %swap3A_22], %add3A_21 {strides = array<i32>} : memref<1024x128xf32, #tpu.memory_space<vmem>>, vector<1024x128xf32>,
    return
  }
  func.func @transform_0(%arg0: i32) -> (i32, i32, i32) {
    %c0_i32 = arith.constant 0 : i32
    %c0_i32_0 = arith.constant 0 : i32
    %c0_i32_1 = arith.constant 0 : i32
    return %c0_i32, %arg0, %c0_i32_0 : i32, i32, i32
  }
  func.func @transform_1(%arg0: i32) -> (i32, i32) {
    %c0_i32 = arith.constant 0 : i32
    %c0_i32_0 = arith.constant 0 : i32
    return %arg0, %c0_i32 : i32, i32
  }
  func.func @transform_2(%arg0: i32) -> (i32, i32) {
    %c0_i32 = arith.constant 0 : i32
    %c0_i32_0 = arith.constant 0 : i32
    return %arg0, %c0_i32 : i32, i32
  }
  func.func @transform_3(%arg0: i32) -> (i32, i32) {
    %c0_i32 = arith.constant 0 : i32
    %c0_i32_0 = arith.constant 0 : i32
    %c0_i32_1 = arith.constant 0 : i32
    return %c0_i32, %c0_i32_0 : i32, i32
  }
  func.func @transform_4(%arg0: i32) -> (i32, i32) {
    %c0_i32 = arith.constant 0 : i32
    %c0_i32_0 = arith.constant 0 : i32
    %c0_i32_1 = arith.constant 0 : i32
    return %c0_i32, %c0_i32_0 : i32, i32
  }
  func.func @transform_5(%arg0: i32) -> (i32, i32) {
    %c0_i32 = arith.constant 0 : i32
    %c0_i32_0 = arith.constant 0 : i32
    return %arg0, %c0_i32 : i32, i32
  }
}

</mosaic_0001>

<sc_bundles>
// kernel: kernel.11.cloned.1.call-start
scs
__scs_entry_jumppad:
0x0: {  	(pc) =	sbr.rel $0x88, $3  }
0x1: {  	(tag) =	ssettag $0x0;
	lr =	simm.s32 $0x1  }
0x2: {  	[smem:$0x3F99] =	sst lr;
	_ =	strace $0xD0000000  }
0x3: {  	_ = 	snop  }
0x4: {  	_ = 	snop  }
0x5: {  	_ = 	snop  }
0x6: {  	_ = 	snop  }
0x7: {  	_ = 	snop  }
__scs_overlays_trampoline_lowered:
0x8: {  	[smem:$0x3FA8] =	sst s0  }
0x9: {  	[smem:$0x3FA9] =	sst s1  }
0xa: {  	[smem:$0x3FAA] =	sst s2  }
0xb: {  	[smem:$0x3FAB] =	sst s3  }
0xc: {  	[smem:$0x3FAC] =	sst s4  }
0xd: {  	[smem:$0x3FAD] =	sst s5  }
0xe: {  	[smem:$0x3FAE] =	sst s6  }
0xf: {  	[smem:$0x3FAF] =	sst s7  }
0x10: {  	[smem:$0x3FB0] =	sst s8  }
0x11: {  	[smem:$0x3FB1] =	sst s9;
	s0 =	simm.s32 @!p0 $0x0  }
0x12: {  	s1 =	sld [smem:$0x3F97];
	s0 =	simm.s32 @p0 $0x1  }
0x13: {  	[smem:$0x3FB2] =	sst s0;
	s0 =	simm.s32 @!p1 $0x0  }
0x14: {  	s2 =	sld [smem:$0x3F96];
	s0 =	simm.s32 @p1 $0x1  }
0x15: {  	[smem:$0x3FB3] =	sst s0;
	s0 =	simm.s32 @!p2 $0x0  }
0x16: {  	s3 =	sld [smem:$0x3FDB];
	s0 =	simm.s32 @p2 $0x1  }
0x17: {  	s4 =	simm.s32 $0x1BF5;
	[smem:$0x3FB5] =	sst s0  }
0x18: {  	s0 =	sld [smem:$0x3F98];
	_ =	swait.ge [sflag:s4], $0x0  }
0x19: {  	s7 =	sld [smem:$0x3F99]  }
0x1a: {  	s8 =	sadd.s32 $0xFFFFE003, lr  }
0x1b: {  	s9 =	sadd.s32 $0xFFFFFEF7, lr;
	s5 =	simm.s32 $0xFFFFFFFF;
	p2 =	slt.u32 s8, $0xFFFFF086  }
0x1c: {  	p1 =	slt.u32 s9, $0xF7A;
	s5 =	simm.s32 @!p2 $0x0  }
0x1d: {  	s5 =	simm.s32 @p1 $0x1;
	p0 =	seq.s32 s7, s2  }
0x1e: {  	s7 =	smul.u32 @!p0 $0xF7A, s2;
	p2 =	seq.s32 @!p0 s5, $0x0  }
0x1f: {  	s9 =	smul.u32 $0xF7A, s1;
	s8 =	simm.s32 @!p0 $0x1BF5;
	p2 =	por !p2, p0  }
0x20: {  	[sflag:s8] =	ssyncset.s32 @!p0 $0xFFFFF086;
	s6 =	sadd.s32 @!p0 s3, s7;
	s7 =	simm.s32 @!p0 $0x108  }
0x21: {  	s3 =	sadd.s32 s3, s9;
	s6 =	sadd.s32 @!p0 $0x88, s6;
	s7 =	simm.s32 @p2 $0x1082  }
0x22: {  	[simem:s7], [sflag:s8] =	dma.local @!p0 [hbm:s6], $0xF7A  }
0x23: {  	s9 =	sor.u32 $0xD0000000, s2;
	s6 =	simm.s32 $0x108;
	_ =	swait.ge @!p0 [sflag:s8], $0x0  }
0x24: {  	s3 =	sadd.s32 $0x88, s3;
	s6 =	simm.s32 @!p1 $0x1082;
	[sflag:s4] =	ssyncset.s32 $0xFFFFF086  }
0x25: {  	[simem:s6], [sflag:s4] =	dma.local [hbm:s3], $0xF7A  }
0x26: {  	[smem:$0x3F99] =	sst s1;
	(tag) =	ssettag s2;
	_ =	strace s9  }
0x27: {  	s1 =	sld [smem:$0x3FA9]  }
0x28: {  	s2 =	sld [smem:$0x3FAA]  }
0x29: {  	s4 =	sld [smem:$0x3FAC]  }
0x2a: {  	p0 =	seq.s32 s5, $0x0;
	s5 =	sld [smem:$0x3FAD]  }
0x2b: {  	s6 =	sld [smem:$0x3FAE]  }
0x2c: {  	s7 =	sld [smem:$0x3FAF]  }
0x2d: {  	s3 =	simm.s32 $0x108;
	s8 =	sld [smem:$0x3FB0]  }
0x2e: {  	s3 =	simm.s32 @!p0 $0x1082;
	s9 =	sld [smem:$0x3FB1]  }
0x2f: {  	lr =	sadd.s32 s0, s3;
	s0 =	sld [smem:$0x3FA8]  }
0x30: {  	s3 =	sld [smem:$0x3FAB]  }
0x31: {  	[smem:$0x3FB4] =	sst s10  }
0x32: {  	s10 =	sld [smem:$0x3FB2];
	_ =	sdelay $0x3  }
0x33: {  	p0 =	seq.s32 s10, $0x1;
	s10 =	sld [smem:$0x3FB4];
	_ =	sdelay $0x3  }
0x34: {  	[smem:$0x3FB4] =	sst s10  }
0x35: {  	s10 =	sld [smem:$0x3FB3];
	_ =	sdelay $0x3  }
0x36: {  	p1 =	seq.s32 s10, $0x1;
	s10 =	sld [smem:$0x3FB4];
	_ =	sdelay $0x3  }
0x37: {  	[smem:$0x3FB4] =	sst s10  }
0x38: {  	s10 =	sld [smem:$0x3FB5]  }
0x39: {  	_ = 	snop;
	(pc) =	sbr.ind lr, $3  }
0x3a: {  	_ = 	snop  }
0x3b: {  	_ = 	snop  }
0x3c: {  	p2 =	seq.s32 s10, $0x1;
	s10 =	sld [smem:$0x3FB4]  }
0x3d: {  	_ =	shalt  }
0x3e: {  	_ =	shalt  }
0x3f: {  	_ =	shalt  }
0x40: {  	_ =	shalt  }
0x41: {  	_ =	shalt  }
0x42: {  	_ =	shalt  }
0x43: {  	_ =	shalt  }
0x44: {  	_ =	shalt  }
0x45: {  	_ =	shalt  }
0x46: {  	_ =	shalt  }
0x47: {  	_ =	shalt  }
0x48: {  	_ =	shalt  }
0x49: {  	_ =	shalt  }
0x4a: {  	_ =	shalt  }
0x4b: {  	_ =	shalt  }
0x4c: {  	_ =	shalt  }
0x4d: {  	_ =	shalt  }
0x4e: {  	_ =	shalt  }
0x4f: {  	_ =	shalt  }
0x50: {  	_ =	shalt  }
0x51: {  	_ =	shalt  }
0x52: {  	_ =	shalt  }
0x53: {  	_ =	shalt  }
0x54: {  	_ =	shalt  }
0x55: {  	_ =	shalt  }
0x56: {  	_ =	shalt  }
0x57: {  	_ =	shalt  }
0x58: {  	_ =	shalt  }
0x59: {  	_ =	shalt  }
0x5a: {  	_ =	shalt  }
0x5b: {  	_ =	shalt  }
0x5c: {  	_ =	shalt  }
0x5d: {  	_ =	shalt  }
0x5e: {  	_ =	shalt  }
0x5f: {  	_ =	shalt  }
0x60: {  	_ =	shalt  }
0x61: {  	_ =	shalt  }
0x62: {  	_ =	shalt  }
0x63: {  	_ =	shalt  }
0x64: {  	_ =	shalt  }
0x65: {  	_ =	shalt  }
0x66: {  	_ =	shalt  }
0x67: {  	_ =	shalt  }
0x68: {  	_ =	shalt  }
0x69: {  	_ =	shalt  }
0x6a: {  	_ =	shalt  }
0x6b: {  	_ =	shalt  }
0x6c: {  	_ =	shalt  }
0x6d: {  	_ =	shalt  }
0x6e: {  	_ =	shalt  }
0x6f: {  	_ =	shalt  }
0x70: {  	_ =	shalt  }
0x71: {  	_ =	shalt  }
0x72: {  	_ =	shalt  }
0x73: {  	_ =	shalt  }
0x74: {  	_ =	shalt  }
0x75: {  	_ =	shalt  }
0x76: {  	_ =	shalt  }
0x77: {  	_ =	shalt  }
0x78: {  	_ =	shalt  }
0x79: {  	_ =	shalt  }
0x7a: {  	_ =	shalt  }
0x7b: {  	_ =	shalt  }
0x7c: {  	_ =	shalt  }
0x7d: {  	_ =	shalt  }
0x7e: {  	_ =	shalt  }
0x7f: {  	_ =	shalt  }
0x80: {  	_ =	shalt  }
0x81: {  	_ =	shalt  }
0x82: {  	_ =	shalt  }
0x83: {  	_ =	shalt  }
0x84: {  	_ =	shalt  }
0x85: {  	_ =	shalt  }
0x86: {  	_ =	shalt  }
0x87: {  	_ =	shalt  }
.Lfunc_end0:
.L_simem_size_0:
called_computation_lowered:
.L_overlay_start_0:
0x88: {  	s2 =	sld [smem:$0x3FD9]  }
0x89: {  	s3 =	sld [smem:$0x3FFE];
	_ =	sdelay $0x1  }
0x8a: {  	s1 =	srdreg.scid  }
0x8b: {  	s0 =	sand.u32 $0x1, s1  }
0x8c: {  	s17 =	sshll.u32 s0, $0xA;
	s2 =	sadd.s32 s3, s2  }
0x8d: {  	s2 =	sadd.s32 s2, s17  }
0x8e: {  	[smem:$0x3FC0] =	sst s2  }
0x8f: {  	_ = 	snop  }
0x90: {  	s2 =	sld [smem:$0x3FD0];
	(tm) =	ssettm $0x1  }
0x91: {  	s18 =	sld [smem:$0x3FFB];
	_ =	sdelay $0x3  }
0x92: {  	_ =	strace s18  }
0x93: {  	s3 =	sld [smem:$0x3FFC];
	_ =	sdelay $0x3  }
0x94: {  	_ =	strace s3  }
0x95: {  	s3 =	sld [smem:$0x3FFD];
	_ =	sdelay $0x3  }
0x96: {  	_ =	strace s3  }
0x97: {  	_ =	strace $0x8FFFFFFF  }
0x98: {  	s19 =	sld [smem:$0x3FDB];
	_ =	sdelay $0x1  }
0x99: {  	s4 =	simm.s32 $_scs_section_size  }
0x9a: {  	s5 =	simm.s32 $_size__tile_overlayer_lowered;
	s6 =	simm.s32 $_tile_overlayer_lowered  }
0x9b: {  	s22 =	simm.s32 $0x1BFF;
	s21 =	sshll.u32 s6, $0x1;
	s3 =	sadd.s32 s4, s19  }
0x9c: {  	s7 =	simm.s32 $0x0;
	s20 =	sshll.u32 s5, $0x1;
	s5 =	sadd.s32 s21, s3  }
0x9d: {  	[timem:s7], [sflag:s22] =	dma.local [hbm:s5], s20  }
0x9e: {  	_ =	swait.ge [sflag:s22], s20  }
0x9f: {  	s4 =	ssub.s32 $0x0, s20;
	[sflag:s22] =	ssyncset.done $0x0  }
0xa0: {  	[sflag:s22] =	ssyncadd.s32 s4;
	_ =	sdelay $0x1  }
0xa1: {  	s23 =	simm.s32 $0x1B8B  }
0xa2: {  	_ =	swait.ge [sflag:s23], $0x1  }
0xa3: {  	[sflag:s23] =	ssyncset.done $0x0  }
0xa4: {  	s25 =	simm.s32 $0x1B8E;
	s24 =	sld [smem:$0x3FFE];
	[sflag:s23] =	ssyncadd.s32 $0xFFFFFFFF  }
0xa5: {  	s26 =	simm.s32 $execute0_lowered;
	[smem:$0x3FD2] =	sst s25  }
0xa6: {  	s5 =	sshll.u32 s26, $0x1;
	_ =	strace $0x80000046;
	[dreg:$0x1] =	wrdreg $0xFFFFFFFF  }
0xa7: {  	s28 =	simm.s32 $_size_execute0_lowered;
	s3 =	sadd.s32 s3, s5;
	[dreg:$0x0] =	wrdreg $0x0  }
0xa8: {  	s5 =	sshll.u32 s28, $0x1;
	[dreg:$0x2] =	wrdreg s3  }
0xa9: {  	[dreg:$0x3] =	wrdreg s5  }
0xaa: {  	[dreg:$0x4] =	wrdreg $0xC0  }
0xab: {  	_ =	task [dreg:s7], $0x5FFFF  }
0xac: {  	[dreg:$0x1] =	wrdreg $0xFFFFFFFF  }
0xad: {  	[dreg:$0x0] =	wrdreg $0x60  }
0xae: {  	[dreg:$0x2] =	wrdreg s24  }
0xaf: {  	[dreg:$0x3] =	wrdreg s2  }
0xb0: {  	[dreg:$0x4] =	wrdreg $0x9  }
0xb1: {  	_ =	task.clear_ibuf [dreg:s7], $0x5FFFF;
	_ =	strace $0x90000046  }
0xb2: {  	s29 =	simm.s32 $0x9;
	_ =	strace $0x80000048  }
0xb3: {  	_ =	swait.ge [sflag:s29], $0x1  }
0xb4: {  	[sflag:s29] =	ssyncadd.s32 $0xFFFFFFFF  }
0xb5: {  	_ =	strace $0x90000048  }
0xb6: {  	_ =	sfence  }
0xb7: {  	s30 =	sld [smem:$0x0];
	_ =	sdelay $0x2  }
0xb8: {  	s31 =	sshll.u32 s1, $0xD;
	s1 =	sshrl.u32 s1, $0x2  }
0xb9: {  	s3 =	sand.u32 $0x4000, s31;
	s1 =	sadd.s32 s1, s30  }
0xba: {  	s0 =	sor.u32 s3, s0;
	s1 =	sshll.u32 s1, $0x11  }
0xbb: {  	s0 =	sor.u32 s1, s0  }
0xbc: {  	s0 =	sadd.s32 $0x8F2B, s0  }
0xbd: {  	[sflag:s0] =	ssyncadd.remote.s32 $0x1  }
0xbe: {  	_ =	sfence.sel $0xFFFF  }
0xbf: {  	[dreg:$0x0] =	wrdreg $0xFFFFFFFF;
	(pc) =	sbr.abs _section_cstart, $3  }
0xc0: {  	[dreg:$0x1] =	wrdreg $0xFFFFFFFF  }
0xc1: {  	_ =	task.clear_ibuf [dreg:s7], $0x2FFFF;
	_ =	strace $0x9FFFFFFF  }
0xc2: {  	(tm) =	ssettm $0x7FFFFFFF  }
0xc3: {  	_ =	shalt  }
tec
execute0_lowered:
.L_overlay_start_1:
0x0: {  	(tag) =	ssettag $0x1  }
0x1: {  	s0 =	srdreg.scid;
	s3 =	rddreg [dreg:$0x0]  }
0x2: {  	s5 =	rddreg [dreg:$0x1];
	s1 =	stileid.u32;
	s9 =	simm.s32 $0x2800  }
0x3: {  	s10 =	simm.s32 $0x5000;
	s11 =	simm.s32 $0x7800;
	s4 =	sand.u32 $0x1, s0  }
0x4: {  	s12 =	simm.s32 $0x80;
	s13 =	simm.s32 $0x100;
	s2 =	sshll.u32 s4, $0x4  }
0x5: {  	s14 =	simm.s32 $0x0;
	s0 =	rddreg [dreg:$0x2];
	s6 =	sor.u32 s1, s2  }
0x6: {  	s4 =	ssub.s32 $0x2, s4;
	s2 =	simm.s32 $0x0;
	s7 =	smul.u32 $0x500, s6  }
0x7: {  	s8 =	sshrl.u32 s4, $0x1;
	[smem:$0x7FF] =	sst s2;
	s6 =	smul.u32 $0xA00, s6  }
0x8: {  	s8 =	ssub.s32 s4, s8;
	_ =	strace $0x80000047;
	s7 =	sadd.s32 s7, s3  }
0x9: {  	s5 =	sadd.s32 s5, s6;
	s3 =	sadd.s32 $0x2600, s7;
	s4 =	sadd.s32 $0xC600, s7  }
0xa: {  	v0 =	vimm.f32 $0.0e+00;
	v1 =	vimm.f32 $1.000000000e+00;
	s6 =	sadd.s32 $0x10, s5;
	s7 =	smax.u32 s8, $0x1;
	s8 =	simm.s32 $0x1  }
.LBB2_1:
0xb: {  	[tilespmem:s2], [sflag:$0x1] =	stream.linear.gather [hbm4b:s3+s2], $0x2780, $0x38;
	[tilespmem:$0xA000] =	vst v63  }
0xc: {  	_ =	swait.ge [sflag:s8], $0x2780  }
0xd: {  	[sflag:s8] =	ssyncset.done $0x0  }
0xe: {  	[sflag:s8] =	ssyncadd.s32 $0xFFFFD880  }
0xf: {  	[tilespmem:s9], [sflag:$0x1] =	stream.linear.gather [hbm4b:s4+s2], $0x2780, $0x38;
	[tilespmem:$0xA000] =	vst v63  }
0x10: {  	_ =	swait.ge [sflag:s8], $0x2780  }
0x11: {  	[sflag:s8] =	ssyncset.done $0x0  }
0x12: {  	s15 =	simm.s32 $0x0;
	[sflag:s8] =	ssyncadd.s32 $0xFFFFD880  }
.LBB2_2:
0x13: {  	p0 =	sne.s32 s15, $0x9FC0  }
.Ltmp0:
0x14: {  	_ = 	snop;
	(pc) =	sbr.rel @p0 .LBB2_2-.Ltmp0, $4  }
0x15: {  	_ = 	snop  }
0x16: {  	s16 =	sshra.s32 s15, $0x2  }
0x17: {  	[tilespmem:s16+$0x5000] =	vst v0  }
0x18: {  	s15 =	sadd.s32 $0x40, s15;
	[tilespmem:s16+$0x7800] =	vst v0  }
0x19: {  	s15 =	simm.s32 $0x0  }
.LBB2_4:
0x1a: {  	s16 =	sshra.s32 s15, $0x2  }
0x1b: {  	v2 =	vld [tilespmem:s16+$0x0];
	_ =	sdelay $0x7  }
0x1c: {  	[tilespmem:v2+s10+$0x0] =	vst.idx.add.f32.msk $0xffff, v1  }
0x1d: {  	v2 =	vld [tilespmem:s16+$0x2800];
	_ =	sdelay $0x7  }
0x1e: {  	[tilespmem:v2+s11+$0x0] =	vst.idx.add.f32.msk $0xffff, v1  }
0x1f: {  	v2 =	vld [tilespmem:s16+$0x10];
	_ =	sdelay $0x7  }
0x20: {  	[tilespmem:v2+s10+$0x0] =	vst.idx.add.f32.msk $0xffff, v1  }
0x21: {  	v2 =	vld [tilespmem:s16+$0x2810];
	_ =	sdelay $0x7  }
0x22: {  	[tilespmem:v2+s11+$0x0] =	vst.idx.add.f32.msk $0xffff, v1  }
0x23: {  	v2 =	vld [tilespmem:s16+$0x20];
	_ =	sdelay $0x7  }
0x24: {  	[tilespmem:v2+s10+$0x0] =	vst.idx.add.f32.msk $0xffff, v1  }
0x25: {  	v2 =	vld [tilespmem:s16+$0x2820];
	_ =	sdelay $0x7  }
0x26: {  	[tilespmem:v2+s11+$0x0] =	vst.idx.add.f32.msk $0xffff, v1  }
0x27: {  	v2 =	vld [tilespmem:s16+$0x30];
	_ =	sdelay $0x7  }
0x28: {  	[tilespmem:v2+s10+$0x0] =	vst.idx.add.f32.msk $0xffff, v1  }
0x29: {  	v2 =	vld [tilespmem:s16+$0x2830];
	_ =	sdelay $0x7  }
0x2a: {  	[tilespmem:v2+s11+$0x0] =	vst.idx.add.f32.msk $0xffff, v1  }
0x2b: {  	v2 =	vld [tilespmem:s16+$0x40];
	_ =	sdelay $0x7  }
0x2c: {  	[tilespmem:v2+s10+$0x0] =	vst.idx.add.f32.msk $0xffff, v1  }
0x2d: {  	v2 =	vld [tilespmem:s16+$0x2840];
	_ =	sdelay $0x7  }
0x2e: {  	[tilespmem:v2+s11+$0x0] =	vst.idx.add.f32.msk $0xffff, v1  }
0x2f: {  	v2 =	vld [tilespmem:s16+$0x50];
	_ =	sdelay $0x7  }
0x30: {  	[tilespmem:v2+s10+$0x0] =	vst.idx.add.f32.msk $0xffff, v1  }
0x31: {  	v2 =	vld [tilespmem:s16+$0x2850];
	_ =	sdelay $0x7  }
0x32: {  	[tilespmem:v2+s11+$0x0] =	vst.idx.add.f32.msk $0xffff, v1  }
0x33: {  	v2 =	vld [tilespmem:s16+$0x60];
	_ =	sdelay $0x7  }
0x34: {  	[tilespmem:v2+s10+$0x0] =	vst.idx.add.f32.msk $0xffff, v1  }
0x35: {  	v2 =	vld [tilespmem:s16+$0x2860];
	_ =	sdelay $0x7  }
0x36: {  	[tilespmem:v2+s11+$0x0] =	vst.idx.add.f32.msk $0xffff, v1  }
0x37: {  	v2 =	vld [tilespmem:s16+$0x70];
	_ =	sdelay $0x7  }
0x38: {  	[tilespmem:v2+s10+$0x0] =	vst.idx.add.f32.msk $0xffff, v1  }
0x39: {  	v2 =	vld [tilespmem:s16+$0x2870];
	_ =	sdelay $0x2  }
0x3a: {  	p0 =	sne.s32 s15, $0x9C00  }
.Ltmp1:
0x3b: {  	_ = 	snop;
	(pc) =	sbr.rel @p0 .LBB2_4-.Ltmp1, $2  }
0x3c: {  	_ =	sdelay $0x2  }
0x3d: {  	s15 =	sadd.s32 $0x200, s15;
	[tilespmem:v2+s11+$0x0] =	vst.idx.add.f32.msk $0xffff, v1  }
0x3e: {  	[hbm4b:s5+s12] =	stream.strided.scatter [tilespmem:s10], [sflag:$0x1], $0x2800, s13, s12, $0x38;
	[tilespmem:$0xA000] =	vst v63  }
0x3f: {  	s14 =	sadd.s32 $0x1, s14;
	_ =	swait.ge [sflag:s8], $0x2800  }
0x40: {  	p0 =	sne.s32 s14, s7;
	[sflag:s8] =	ssyncset.done $0x0  }
.Ltmp2:
0x41: {  	[sflag:s8] =	ssyncadd.s32 $0xFFFFD800;
	(pc) =	sbr.rel @p0 .LBB2_1-.Ltmp2, $4  }
0x42: {  	[hbm4b:s6+s12] =	stream.strided.scatter [tilespmem:s11], [sflag:$0x1], $0x2800, s13, s12, $0x38;
	[tilespmem:$0xA000] =	vst v63  }
0x43: {  	_ =	swait.ge [sflag:s8], $0x2800  }
0x44: {  	[sflag:s8] =	ssyncset.done $0x0  }
0x45: {  	[sflag:s8] =	ssyncadd.s32 $0xFFFFD800  }
0x46: {  	_ =	sfence.sel $0x180000  }
0x47: {  	[bflag:$0x0] =	sbarrier.arrive $0xFFFF  }
0x48: {  	p0 =	sne.s32 s1, $0x0;
	_ =	strace $0x90000047  }
0x49: {  	s0 =	sadd.s32 @!p0 $0x100000, s0;
	[bflag:$0x2] =	sbarrier.arrive $0xFFFF  }
0x4a: {  	[sflag:s0] =	ssyncadd.tile.s32 @!p0 $0x1;
	_ =	shalt  }
.Lfunc_end2:
_tile_overlayer_lowered:
.L_overlay_start_2:
0x4b: {  	(tag) =	ssettag $0x2  }
0x4c: {  	s0 =	rddreg [dreg:$0x0];
	s2 =	stileid.u32  }
0x4d: {  	s1 =	rddreg [dreg:$0x1];
	p0 =	sne.s32 s2, $0x0  }
0x4e: {  	s3 =	rddreg [dreg:$0x2];
	[bflag:$0x3] =	sbarrier.arrive $0xFFFF;
	s2 =	simm.s32 @!p0 $0x1C01  }
0x4f: {  	[timem:s3], [sflag:s2] =	dma.local @!p0 [hbm:s0], s1  }
0x50: {  	s0 =	simm.s32 @!p0 $0x1  }
0x51: {  	_ =	swait.ge @!p0 [sflag:s0], s1  }
0x52: {  	s1 =	ssub.s32 @!p0 $0x0, s1;
	[sflag:s0] =	ssyncset.done @!p0 $0x0  }
0x53: {  	[sflag:s0] =	ssyncadd.s32 @!p0 s1  }
0x54: {  	[bflag:$0x3] =	sbarrier.arrive $0xFFFF  }
0x55: {  	_ =	shalt  }

// kernel: kernel.14.cloned.1.call-start
scs
__scs_entry_jumppad:
0x0: {  	(pc) =	sbr.rel $0x88, $3  }
0x1: {  	(tag) =	ssettag $0x0;
	lr =	simm.s32 $0x1  }
0x2: {  	[smem:$0x3F99] =	sst lr;
	_ =	strace $0xD0000000  }
0x3: {  	_ = 	snop  }
0x4: {  	_ = 	snop  }
0x5: {  	_ = 	snop  }
0x6: {  	_ = 	snop  }
0x7: {  	_ = 	snop  }
__scs_overlays_trampoline_lowered:
0x8: {  	[smem:$0x3FA8] =	sst s0  }
0x9: {  	[smem:$0x3FA9] =	sst s1  }
0xa: {  	[smem:$0x3FAA] =	sst s2  }
0xb: {  	[smem:$0x3FAB] =	sst s3  }
0xc: {  	[smem:$0x3FAC] =	sst s4  }
0xd: {  	[smem:$0x3FAD] =	sst s5  }
0xe: {  	[smem:$0x3FAE] =	sst s6  }
0xf: {  	[smem:$0x3FAF] =	sst s7  }
0x10: {  	[smem:$0x3FB0] =	sst s8  }
0x11: {  	[smem:$0x3FB1] =	sst s9;
	s0 =	simm.s32 @!p0 $0x0  }
0x12: {  	s1 =	sld [smem:$0x3F97];
	s0 =	simm.s32 @p0 $0x1  }
0x13: {  	[smem:$0x3FB2] =	sst s0;
	s0 =	simm.s32 @!p1 $0x0  }
0x14: {  	s2 =	sld [smem:$0x3F96];
	s0 =	simm.s32 @p1 $0x1  }
0x15: {  	[smem:$0x3FB3] =	sst s0;
	s0 =	simm.s32 @!p2 $0x0  }
0x16: {  	s3 =	sld [smem:$0x3FDB];
	s0 =	simm.s32 @p2 $0x1  }
0x17: {  	s4 =	simm.s32 $0x1BF5;
	[smem:$0x3FB5] =	sst s0  }
0x18: {  	s0 =	sld [smem:$0x3F98];
	_ =	swait.ge [sflag:s4], $0x0  }
0x19: {  	s7 =	sld [smem:$0x3F99]  }
0x1a: {  	s8 =	sadd.s32 $0xFFFFE003, lr  }
0x1b: {  	s9 =	sadd.s32 $0xFFFFFEF7, lr;
	s5 =	simm.s32 $0xFFFFFFFF;
	p2 =	slt.u32 s8, $0xFFFFF086  }
0x1c: {  	p1 =	slt.u32 s9, $0xF7A;
	s5 =	simm.s32 @!p2 $0x0  }
0x1d: {  	s5 =	simm.s32 @p1 $0x1;
	p0 =	seq.s32 s7, s2  }
0x1e: {  	s7 =	smul.u32 @!p0 $0xF7A, s2;
	p2 =	seq.s32 @!p0 s5, $0x0  }
0x1f: {  	s9 =	smul.u32 $0xF7A, s1;
	s8 =	simm.s32 @!p0 $0x1BF5;
	p2 =	por !p2, p0  }
0x20: {  	[sflag:s8] =	ssyncset.s32 @!p0 $0xFFFFF086;
	s6 =	sadd.s32 @!p0 s3, s7;
	s7 =	simm.s32 @!p0 $0x108  }
0x21: {  	s3 =	sadd.s32 s3, s9;
	s6 =	sadd.s32 @!p0 $0x88, s6;
	s7 =	simm.s32 @p2 $0x1082  }
0x22: {  	[simem:s7], [sflag:s8] =	dma.local @!p0 [hbm:s6], $0xF7A  }
0x23: {  	s9 =	sor.u32 $0xD0000000, s2;
	s6 =	simm.s32 $0x108;
	_ =	swait.ge @!p0 [sflag:s8], $0x0  }
0x24: {  	s3 =	sadd.s32 $0x88, s3;
	s6 =	simm.s32 @!p1 $0x1082;
	[sflag:s4] =	ssyncset.s32 $0xFFFFF086  }
0x25: {  	[simem:s6], [sflag:s4] =	dma.local [hbm:s3], $0xF7A  }
0x26: {  	[smem:$0x3F99] =	sst s1;
	(tag) =	ssettag s2;
	_ =	strace s9  }
0x27: {  	s1 =	sld [smem:$0x3FA9]  }
0x28: {  	s2 =	sld [smem:$0x3FAA]  }
0x29: {  	s4 =	sld [smem:$0x3FAC]  }
0x2a: {  	p0 =	seq.s32 s5, $0x0;
	s5 =	sld [smem:$0x3FAD]  }
0x2b: {  	s6 =	sld [smem:$0x3FAE]  }
0x2c: {  	s7 =	sld [smem:$0x3FAF]  }
0x2d: {  	s3 =	simm.s32 $0x108;
	s8 =	sld [smem:$0x3FB0]  }
0x2e: {  	s3 =	simm.s32 @!p0 $0x1082;
	s9 =	sld [smem:$0x3FB1]  }
0x2f: {  	lr =	sadd.s32 s0, s3;
	s0 =	sld [smem:$0x3FA8]  }
0x30: {  	s3 =	sld [smem:$0x3FAB]  }
0x31: {  	[smem:$0x3FB4] =	sst s10  }
0x32: {  	s10 =	sld [smem:$0x3FB2];
	_ =	sdelay $0x3  }
0x33: {  	p0 =	seq.s32 s10, $0x1;
	s10 =	sld [smem:$0x3FB4];
	_ =	sdelay $0x3  }
0x34: {  	[smem:$0x3FB4] =	sst s10  }
0x35: {  	s10 =	sld [smem:$0x3FB3];
	_ =	sdelay $0x3  }
0x36: {  	p1 =	seq.s32 s10, $0x1;
	s10 =	sld [smem:$0x3FB4];
	_ =	sdelay $0x3  }
0x37: {  	[smem:$0x3FB4] =	sst s10  }
0x38: {  	s10 =	sld [smem:$0x3FB5]  }
0x39: {  	_ = 	snop;
	(pc) =	sbr.ind lr, $3  }
0x3a: {  	_ = 	snop  }
0x3b: {  	_ = 	snop  }
0x3c: {  	p2 =	seq.s32 s10, $0x1;
	s10 =	sld [smem:$0x3FB4]  }
0x3d: {  	_ =	shalt  }
0x3e: {  	_ =	shalt  }
0x3f: {  	_ =	shalt  }
0x40: {  	_ =	shalt  }
0x41: {  	_ =	shalt  }
0x42: {  	_ =	shalt  }
0x43: {  	_ =	shalt  }
0x44: {  	_ =	shalt  }
0x45: {  	_ =	shalt  }
0x46: {  	_ =	shalt  }
0x47: {  	_ =	shalt  }
0x48: {  	_ =	shalt  }
0x49: {  	_ =	shalt  }
0x4a: {  	_ =	shalt  }
0x4b: {  	_ =	shalt  }
0x4c: {  	_ =	shalt  }
0x4d: {  	_ =	shalt  }
0x4e: {  	_ =	shalt  }
0x4f: {  	_ =	shalt  }
0x50: {  	_ =	shalt  }
0x51: {  	_ =	shalt  }
0x52: {  	_ =	shalt  }
0x53: {  	_ =	shalt  }
0x54: {  	_ =	shalt  }
0x55: {  	_ =	shalt  }
0x56: {  	_ =	shalt  }
0x57: {  	_ =	shalt  }
0x58: {  	_ =	shalt  }
0x59: {  	_ =	shalt  }
0x5a: {  	_ =	shalt  }
0x5b: {  	_ =	shalt  }
0x5c: {  	_ =	shalt  }
0x5d: {  	_ =	shalt  }
0x5e: {  	_ =	shalt  }
0x5f: {  	_ =	shalt  }
0x60: {  	_ =	shalt  }
0x61: {  	_ =	shalt  }
0x62: {  	_ =	shalt  }
0x63: {  	_ =	shalt  }
0x64: {  	_ =	shalt  }
0x65: {  	_ =	shalt  }
0x66: {  	_ =	shalt  }
0x67: {  	_ =	shalt  }
0x68: {  	_ =	shalt  }
0x69: {  	_ =	shalt  }
0x6a: {  	_ =	shalt  }
0x6b: {  	_ =	shalt  }
0x6c: {  	_ =	shalt  }
0x6d: {  	_ =	shalt  }
0x6e: {  	_ =	shalt  }
0x6f: {  	_ =	shalt  }
0x70: {  	_ =	shalt  }
0x71: {  	_ =	shalt  }
0x72: {  	_ =	shalt  }
0x73: {  	_ =	shalt  }
0x74: {  	_ =	shalt  }
0x75: {  	_ =	shalt  }
0x76: {  	_ =	shalt  }
0x77: {  	_ =	shalt  }
0x78: {  	_ =	shalt  }
0x79: {  	_ =	shalt  }
0x7a: {  	_ =	shalt  }
0x7b: {  	_ =	shalt  }
0x7c: {  	_ =	shalt  }
0x7d: {  	_ =	shalt  }
0x7e: {  	_ =	shalt  }
0x7f: {  	_ =	shalt  }
0x80: {  	_ =	shalt  }
0x81: {  	_ =	shalt  }
0x82: {  	_ =	shalt  }
0x83: {  	_ =	shalt  }
0x84: {  	_ =	shalt  }
0x85: {  	_ =	shalt  }
0x86: {  	_ =	shalt  }
0x87: {  	_ =	shalt  }
.Lfunc_end0:
.L_simem_size_0:
called_computation.1_lowered:
.L_overlay_start_0:
0x88: {  	s2 =	sld [smem:$0x3FD9]  }
0x89: {  	s3 =	sld [smem:$0x3FFE];
	_ =	sdelay $0x1  }
0x8a: {  	s1 =	srdreg.scid  }
0x8b: {  	s0 =	sand.u32 $0x1, s1  }
0x8c: {  	s17 =	sshll.u32 s0, $0xA;
	s2 =	sadd.s32 s3, s2  }
0x8d: {  	s2 =	sadd.s32 s2, s17  }
0x8e: {  	[smem:$0x3FC0] =	sst s2  }
0x8f: {  	_ = 	snop  }
0x90: {  	s2 =	sld [smem:$0x3FD0];
	(tm) =	ssettm $0x1  }
0x91: {  	s18 =	sld [smem:$0x3FFB];
	_ =	sdelay $0x3  }
0x92: {  	_ =	strace s18  }
0x93: {  	s3 =	sld [smem:$0x3FFC];
	_ =	sdelay $0x3  }
0x94: {  	_ =	strace s3  }
0x95: {  	s3 =	sld [smem:$0x3FFD];
	_ =	sdelay $0x3  }
0x96: {  	_ =	strace s3  }
0x97: {  	_ =	strace $0x8FFFFFFF  }
0x98: {  	s19 =	sld [smem:$0x3FDB];
	_ =	sdelay $0x1  }
0x99: {  	s4 =	simm.s32 $_scs_section_size  }
0x9a: {  	s5 =	simm.s32 $_size__tile_overlayer_lowered;
	s6 =	simm.s32 $_tile_overlayer_lowered  }
0x9b: {  	s22 =	simm.s32 $0x1BFF;
	s21 =	sshll.u32 s6, $0x1;
	s3 =	sadd.s32 s4, s19  }
0x9c: {  	s7 =	simm.s32 $0x0;
	s20 =	sshll.u32 s5, $0x1;
	s5 =	sadd.s32 s21, s3  }
0x9d: {  	[timem:s7], [sflag:s22] =	dma.local [hbm:s5], s20  }
0x9e: {  	_ =	swait.ge [sflag:s22], s20  }
0x9f: {  	s4 =	ssub.s32 $0x0, s20;
	[sflag:s22] =	ssyncset.done $0x0  }
0xa0: {  	[sflag:s22] =	ssyncadd.s32 s4;
	_ =	sdelay $0x1  }
0xa1: {  	s23 =	simm.s32 $0x1B8B  }
0xa2: {  	_ =	swait.ge [sflag:s23], $0x1  }
0xa3: {  	[sflag:s23] =	ssyncset.done $0x0  }
0xa4: {  	s25 =	simm.s32 $0x1B8E;
	s24 =	sld [smem:$0x3FFE];
	[sflag:s23] =	ssyncadd.s32 $0xFFFFFFFF  }
0xa5: {  	s26 =	simm.s32 $execute0_lowered;
	[smem:$0x3FD2] =	sst s25  }
0xa6: {  	s5 =	sshll.u32 s26, $0x1;
	_ =	strace $0x80000049;
	[dreg:$0x1] =	wrdreg $0xFFFFFFFF  }
0xa7: {  	s28 =	simm.s32 $_size_execute0_lowered;
	s3 =	sadd.s32 s3, s5;
	[dreg:$0x0] =	wrdreg $0x0  }
0xa8: {  	s5 =	sshll.u32 s28, $0x1;
	[dreg:$0x2] =	wrdreg s3  }
0xa9: {  	[dreg:$0x3] =	wrdreg s5  }
0xaa: {  	[dreg:$0x4] =	wrdreg $0xC0  }
0xab: {  	_ =	task [dreg:s7], $0x5FFFF  }
0xac: {  	[dreg:$0x1] =	wrdreg $0xFFFFFFFF  }
0xad: {  	[dreg:$0x0] =	wrdreg $0x60  }
0xae: {  	[dreg:$0x2] =	wrdreg s24  }
0xaf: {  	[dreg:$0x3] =	wrdreg s2  }
0xb0: {  	[dreg:$0x4] =	wrdreg $0x90000  }
0xb1: {  	[dreg:$0x5] =	wrdreg $0x9  }
0xb2: {  	_ =	task.clear_ibuf [dreg:s7], $0x6FFFF;
	_ =	strace $0x90000049  }
0xb3: {  	s29 =	simm.s32 $0x9;
	_ =	strace $0x8000004B  }
0xb4: {  	_ =	swait.ge [sflag:s29], $0x1  }
0xb5: {  	[sflag:s29] =	ssyncadd.s32 $0xFFFFFFFF  }
0xb6: {  	_ =	strace $0x9000004B  }
0xb7: {  	_ =	sfence  }
0xb8: {  	s30 =	sld [smem:$0x0];
	_ =	sdelay $0x2  }
0xb9: {  	s31 =	sshll.u32 s1, $0xD;
	s1 =	sshrl.u32 s1, $0x2  }
0xba: {  	s3 =	sand.u32 $0x4000, s31;
	s1 =	sadd.s32 s1, s30  }
0xbb: {  	s0 =	sor.u32 s3, s0;
	s1 =	sshll.u32 s1, $0x11  }
0xbc: {  	s0 =	sor.u32 s1, s0  }
0xbd: {  	s0 =	sadd.s32 $0x8F2B, s0  }
0xbe: {  	[sflag:s0] =	ssyncadd.remote.s32 $0x1  }
0xbf: {  	_ =	sfence.sel $0xFFFF  }
0xc0: {  	[dreg:$0x0] =	wrdreg $0xFFFFFFFF;
	(pc) =	sbr.abs _section_cstart, $3  }
0xc1: {  	[dreg:$0x1] =	wrdreg $0xFFFFFFFF  }
0xc2: {  	_ =	task.clear_ibuf [dreg:s7], $0x2FFFF;
	_ =	strace $0x9FFFFFFF  }
0xc3: {  	(tm) =	ssettm $0x7FFFFFFF  }
tec
execute0_lowered:
.L_overlay_start_1:
0x0: {  	(tag) =	ssettag $0x1  }
0x1: {  	s6 =	rddreg [dreg:$0x0]  }
0x2: {  	s0 =	srdreg.scid;
	s2 =	rddreg [dreg:$0x1]  }
0x3: {  	s3 =	rddreg [dreg:$0x2];
	s4 =	simm.s32 $0x0;
	s14 =	simm.s32 $0x80  }
0x4: {  	s15 =	simm.s32 $0x5000;
	s16 =	simm.s32 $0x1;
	s5 =	sand.u32 $0x1, s0  }
0x5: {  	s17 =	simm.s32 $0x0;
	s0 =	stileid.u32;
	s8 =	smul.u32 $0x140000, s5  }
0x6: {  	[smem:$0x7FF] =	sst s4;
	s1 =	sshll.u32 s5, $0x4;
	s9 =	smul.u32 $0x14000, s0  }
0x7: {  	s30 =	ssub.s32 $0x2, s5;
	s11 =	smul.u32 $0x50000, s0;
	s5 =	sadd.s32 $0x16600, s6  }
0x8: {  	s12 =	sshll.u32 s0, $0x6;
	s1 =	sor.u32 s0, s1;
	s10 =	sshrl.u32 s30, $0x1  }
0x9: {  	s12 =	sor.u32 $0x1C02, s12;
	s7 =	smul.u32 $0x500, s1;
	s1 =	rddreg [dreg:$0x3]  }
0xa: {  	_ =	strace $0x8000004A;
	s8 =	sadd.s32 s9, s8;
	s9 =	ssub.s32 s30, s10  }
0xb: {  	s31 =	sshrl.u32 s11, $0x2;
	s10 =	simm.s32 $0x2;
	s11 =	simm.s32 $0x2800  }
0xc: {  	s8 =	sshrl.u32 s8, $0x3;
	s13 =	sadd.s32 s31, s3;
	s9 =	smax.u32 s9, $0x1  }
0xd: {  	s7 =	sadd.s32 s7, s6;
	s8 =	sadd.s32 s8, s6;
	s13 =	sshrl.u32 s13, $0x3  }
0xe: {  	s6 =	sadd.s32 $0x2600, s7;
	s7 =	sadd.s32 $0xC600, s7;
	s8 =	sadd.s32 $0x3E600, s8  }
.LBB2_1:
0xf: {  	[tilespmem:s4], [sflag:$0x2] =	stream.linear.gather [hbm4b:s6+s4], $0x2780, $0x38;
	[tilespmem:$0x1D000] =	vst v63  }
0x10: {  	_ =	swait.ge [sflag:s10], $0x2780  }
0x11: {  	[sflag:s10] =	ssyncset.done $0x0  }
0x12: {  	[sflag:s10] =	ssyncadd.s32 $0xFFFFD880  }
0x13: {  	[tilespmem:s11], [sflag:$0x2] =	stream.linear.gather [hbm4b:s7+s4], $0x2780, $0x38;
	[tilespmem:$0x1D000] =	vst v63  }
0x14: {  	_ =	swait.ge [sflag:s10], $0x2780  }
0x15: {  	[sflag:s10] =	ssyncset.done $0x0  }
0x16: {  	[sflag:s10] =	ssyncadd.s32 $0xFFFFD880  }
0x17: {  	[spmem:s13], [sflag:s12] =	dma.local [hbm:s2], $0x2800  }
0x18: {  	_ =	swait.ge [sflag:s10], $0x2800  }
0x19: {  	[sflag:s10] =	ssyncset.done $0x0  }
0x1a: {  	[sflag:s10] =	ssyncadd.s32 $0xFFFFD800  }
0x1b: {  	s18 =	simm.s32 $0x0;
	[bflag:$0x0] =	sbarrier.arrive $0xFFFF  }
0x1c: {  	[tilespmem:s15], [sflag:$0x1] =	stream.indirect.gather [hbm4b:s5+s14], $0x80, s18, s14, $0xb8;
	[tilespmem:$0x1D000] =	vst v63  }
0x1d: {  	_ =	swait.ge [sflag:s16], $0x4000  }
0x1e: {  	[sflag:s16] =	ssyncset.done $0x0  }
0x1f: {  	s31 =	simm.s32 $0x2800;
	[sflag:s16] =	ssyncadd.s32 $0xFFFFC000  }
0x20: {  	[spmem:s3] =	stream.indirect.scatter.add.f32 [tilespmem:s15], [sflag:$0x2], $0x80, s31, s14, $0xb8;
	[tilespmem:$0x1D000] =	vst v63  }
0x21: {  	_ =	swait.ge [sflag:s10], $0x4000  }
0x22: {  	s19 =	simm.s32 $0x400;
	s18 =	simm.s32 $0x200;
	[sflag:s10] =	ssyncset.done $0x0  }
.LBB2_2:
0x23: {  	s20 =	sshra.s32 s18, $0x2  }
0x24: {  	[sflag:s10] =	ssyncadd.s32 $0xFFFFC000;
	s18 =	smov.u32 s19;
	s21 =	sadd.s32 $0x200, s19  }
0x25: {  	[tilespmem:s15], [sflag:$0x1] =	stream.indirect.gather [hbm4b:s5+s14], $0x80, s20, s14, $0xb8;
	[tilespmem:$0x1D000] =	vst v63  }
0x26: {  	p0 =	sne.s32 s19, $0x9C00;
	_ =	swait.ge [sflag:s16], $0x4000  }
.Ltmp0:
0x27: {  	[sflag:s16] =	ssyncset.done $0x0;
	(pc) =	sbr.rel @p0 .LBB2_2-.Ltmp0, $4  }
0x28: {  	s19 =	sadd.s32 $0x2800, s20;
	[sflag:s16] =	ssyncadd.s32 $0xFFFFC000  }
0x29: {  	[spmem:s3] =	stream.indirect.scatter.add.f32 [tilespmem:s15], [sflag:$0x2], $0x80, s19, s14, $0xb8;
	[tilespmem:$0x1D000] =	vst v63  }
0x2a: {  	_ =	swait.ge [sflag:s10], $0x4000  }
0x2b: {  	s19 =	smov.u32 s21;
	[sflag:s10] =	ssyncset.done $0x0  }
0x2c: {  	s18 =	sshra.s32 s18, $0x2;
	[sflag:s10] =	ssyncadd.s32 $0xFFFFC000  }
0x2d: {  	[tilespmem:s15], [sflag:$0x1] =	stream.indirect.gather [hbm4b:s5+s14], $0x80, s18, s14, $0xb8;
	[tilespmem:$0x1D000] =	vst v63  }
0x2e: {  	_ =	swait.ge [sflag:s16], $0x4000  }
0x2f: {  	[sflag:s16] =	ssyncset.done $0x0  }
0x30: {  	s18 =	sadd.s32 $0x2800, s18;
	[sflag:s16] =	ssyncadd.s32 $0xFFFFC000  }
0x31: {  	[spmem:s3] =	stream.indirect.scatter.add.f32 [tilespmem:s15], [sflag:$0x2], $0x80, s18, s14, $0xb8;
	[tilespmem:$0x1D000] =	vst v63  }
0x32: {  	_ =	swait.ge [sflag:s10], $0x4000  }
0x33: {  	s17 =	sadd.s32 $0x1, s17;
	[sflag:s10] =	ssyncset.done $0x0  }
0x34: {  	p0 =	sne.s32 s17, s9;
	[sflag:s10] =	ssyncadd.s32 $0xFFFFC000  }
.Ltmp1:
0x35: {  	[bflag:$0x0] =	sbarrier.arrive $0xFFFF;
	(pc) =	sbr.rel @p0 .LBB2_1-.Ltmp1, $4  }
0x36: {  	[hbm:s8], [sflag:s12] =	dma.local [spmem:s13], $0x2800  }
0x37: {  	_ =	swait.ge [sflag:s10], $0x2800  }
0x38: {  	[sflag:s10] =	ssyncset.done $0x0  }
0x39: {  	[sflag:s10] =	ssyncadd.s32 $0xFFFFD800  }
0x3a: {  	_ =	sfence.sel $0x180000  }
0x3b: {  	[bflag:$0x0] =	sbarrier.arrive $0xFFFF  }
0x3c: {  	p0 =	sne.s32 s0, $0x0;
	_ =	strace $0x9000004A  }
0x3d: {  	s0 =	sadd.s32 @!p0 $0x100000, s1;
	[bflag:$0x2] =	sbarrier.arrive $0xFFFF  }
0x3e: {  	[sflag:s0] =	ssyncadd.tile.s32 @!p0 $0x1;
	_ =	shalt  }
.Lfunc_end2:
_tile_overlayer_lowered:
.L_overlay_start_2:
0x3f: {  	(tag) =	ssettag $0x2  }
0x40: {  	s0 =	rddreg [dreg:$0x0];
	s2 =	stileid.u32  }
0x41: {  	s1 =	rddreg [dreg:$0x1];
	p0 =	sne.s32 s2, $0x0  }
0x42: {  	s3 =	rddreg [dreg:$0x2];
	[bflag:$0x3] =	sbarrier.arrive $0xFFFF;
	s2 =	simm.s32 @!p0 $0x1C02  }
0x43: {  	[timem:s3], [sflag:s2] =	dma.local @!p0 [hbm:s0], s1  }
0x44: {  	s0 =	simm.s32 @!p0 $0x2  }
0x45: {  	_ =	swait.ge @!p0 [sflag:s0], s1  }
0x46: {  	s1 =	ssub.s32 @!p0 $0x0, s1;
	[sflag:s0] =	ssyncset.done @!p0 $0x0  }
0x47: {  	[sflag:s0] =	ssyncadd.s32 @!p0 s1  }
0x48: {  	[bflag:$0x3] =	sbarrier.arrive $0xFFFF  }
0x49: {  	_ =	shalt  }

// kernel: kernel.17.cloned.1.call-start
scs
__scs_entry_jumppad:
0x0: {  	(pc) =	sbr.rel $0x88, $3  }
0x1: {  	(tag) =	ssettag $0x0;
	lr =	simm.s32 $0x1  }
0x2: {  	[smem:$0x3F99] =	sst lr;
	_ =	strace $0xD0000000  }
0x3: {  	_ = 	snop  }
0x4: {  	_ = 	snop  }
0x5: {  	_ = 	snop  }
0x6: {  	_ = 	snop  }
0x7: {  	_ = 	snop  }
__scs_overlays_trampoline_lowered:
0x8: {  	[smem:$0x3FA8] =	sst s0  }
0x9: {  	[smem:$0x3FA9] =	sst s1  }
0xa: {  	[smem:$0x3FAA] =	sst s2  }
0xb: {  	[smem:$0x3FAB] =	sst s3  }
0xc: {  	[smem:$0x3FAC] =	sst s4  }
0xd: {  	[smem:$0x3FAD] =	sst s5  }
0xe: {  	[smem:$0x3FAE] =	sst s6  }
0xf: {  	[smem:$0x3FAF] =	sst s7  }
0x10: {  	[smem:$0x3FB0] =	sst s8  }
0x11: {  	[smem:$0x3FB1] =	sst s9;
	s0 =	simm.s32 @!p0 $0x0  }
0x12: {  	s1 =	sld [smem:$0x3F97];
	s0 =	simm.s32 @p0 $0x1  }
0x13: {  	[smem:$0x3FB2] =	sst s0;
	s0 =	simm.s32 @!p1 $0x0  }
0x14: {  	s2 =	sld [smem:$0x3F96];
	s0 =	simm.s32 @p1 $0x1  }
0x15: {  	[smem:$0x3FB3] =	sst s0;
	s0 =	simm.s32 @!p2 $0x0  }
0x16: {  	s3 =	sld [smem:$0x3FDB];
	s0 =	simm.s32 @p2 $0x1  }
0x17: {  	s4 =	simm.s32 $0x1BF5;
	[smem:$0x3FB5] =	sst s0  }
0x18: {  	s0 =	sld [smem:$0x3F98];
	_ =	swait.ge [sflag:s4], $0x0  }
0x19: {  	s7 =	sld [smem:$0x3F99]  }
0x1a: {  	s8 =	sadd.s32 $0xFFFFE003, lr  }
0x1b: {  	s9 =	sadd.s32 $0xFFFFFEF7, lr;
	s5 =	simm.s32 $0xFFFFFFFF;
	p2 =	slt.u32 s8, $0xFFFFF086  }
0x1c: {  	p1 =	slt.u32 s9, $0xF7A;
	s5 =	simm.s32 @!p2 $0x0  }
0x1d: {  	s5 =	simm.s32 @p1 $0x1;
	p0 =	seq.s32 s7, s2  }
0x1e: {  	s7 =	smul.u32 @!p0 $0xF7A, s2;
	p2 =	seq.s32 @!p0 s5, $0x0  }
0x1f: {  	s9 =	smul.u32 $0xF7A, s1;
	s8 =	simm.s32 @!p0 $0x1BF5;
	p2 =	por !p2, p0  }
0x20: {  	[sflag:s8] =	ssyncset.s32 @!p0 $0xFFFFF086;
	s6 =	sadd.s32 @!p0 s3, s7;
	s7 =	simm.s32 @!p0 $0x108  }
0x21: {  	s3 =	sadd.s32 s3, s9;
	s6 =	sadd.s32 @!p0 $0x88, s6;
	s7 =	simm.s32 @p2 $0x1082  }
0x22: {  	[simem:s7], [sflag:s8] =	dma.local @!p0 [hbm:s6], $0xF7A  }
0x23: {  	s9 =	sor.u32 $0xD0000000, s2;
	s6 =	simm.s32 $0x108;
	_ =	swait.ge @!p0 [sflag:s8], $0x0  }
0x24: {  	s3 =	sadd.s32 $0x88, s3;
	s6 =	simm.s32 @!p1 $0x1082;
	[sflag:s4] =	ssyncset.s32 $0xFFFFF086  }
0x25: {  	[simem:s6], [sflag:s4] =	dma.local [hbm:s3], $0xF7A  }
0x26: {  	[smem:$0x3F99] =	sst s1;
	(tag) =	ssettag s2;
	_ =	strace s9  }
0x27: {  	s1 =	sld [smem:$0x3FA9]  }
0x28: {  	s2 =	sld [smem:$0x3FAA]  }
0x29: {  	s4 =	sld [smem:$0x3FAC]  }
0x2a: {  	p0 =	seq.s32 s5, $0x0;
	s5 =	sld [smem:$0x3FAD]  }
0x2b: {  	s6 =	sld [smem:$0x3FAE]  }
0x2c: {  	s7 =	sld [smem:$0x3FAF]  }
0x2d: {  	s3 =	simm.s32 $0x108;
	s8 =	sld [smem:$0x3FB0]  }
0x2e: {  	s3 =	simm.s32 @!p0 $0x1082;
	s9 =	sld [smem:$0x3FB1]  }
0x2f: {  	lr =	sadd.s32 s0, s3;
	s0 =	sld [smem:$0x3FA8]  }
0x30: {  	s3 =	sld [smem:$0x3FAB]  }
0x31: {  	[smem:$0x3FB4] =	sst s10  }
0x32: {  	s10 =	sld [smem:$0x3FB2];
	_ =	sdelay $0x3  }
0x33: {  	p0 =	seq.s32 s10, $0x1;
	s10 =	sld [smem:$0x3FB4];
	_ =	sdelay $0x3  }
0x34: {  	[smem:$0x3FB4] =	sst s10  }
0x35: {  	s10 =	sld [smem:$0x3FB3];
	_ =	sdelay $0x3  }
0x36: {  	p1 =	seq.s32 s10, $0x1;
	s10 =	sld [smem:$0x3FB4];
	_ =	sdelay $0x3  }
0x37: {  	[smem:$0x3FB4] =	sst s10  }
0x38: {  	s10 =	sld [smem:$0x3FB5]  }
0x39: {  	_ = 	snop;
	(pc) =	sbr.ind lr, $3  }
0x3a: {  	_ = 	snop  }
0x3b: {  	_ = 	snop  }
0x3c: {  	p2 =	seq.s32 s10, $0x1;
	s10 =	sld [smem:$0x3FB4]  }
0x3d: {  	_ =	shalt  }
0x3e: {  	_ =	shalt  }
0x3f: {  	_ =	shalt  }
0x40: {  	_ =	shalt  }
0x41: {  	_ =	shalt  }
0x42: {  	_ =	shalt  }
0x43: {  	_ =	shalt  }
0x44: {  	_ =	shalt  }
0x45: {  	_ =	shalt  }
0x46: {  	_ =	shalt  }
0x47: {  	_ =	shalt  }
0x48: {  	_ =	shalt  }
0x49: {  	_ =	shalt  }
0x4a: {  	_ =	shalt  }
0x4b: {  	_ =	shalt  }
0x4c: {  	_ =	shalt  }
0x4d: {  	_ =	shalt  }
0x4e: {  	_ =	shalt  }
0x4f: {  	_ =	shalt  }
0x50: {  	_ =	shalt  }
0x51: {  	_ =	shalt  }
0x52: {  	_ =	shalt  }
0x53: {  	_ =	shalt  }
0x54: {  	_ =	shalt  }
0x55: {  	_ =	shalt  }
0x56: {  	_ =	shalt  }
0x57: {  	_ =	shalt  }
0x58: {  	_ =	shalt  }
0x59: {  	_ =	shalt  }
0x5a: {  	_ =	shalt  }
0x5b: {  	_ =	shalt  }
0x5c: {  	_ =	shalt  }
0x5d: {  	_ =	shalt  }
0x5e: {  	_ =	shalt  }
0x5f: {  	_ =	shalt  }
0x60: {  	_ =	shalt  }
0x61: {  	_ =	shalt  }
0x62: {  	_ =	shalt  }
0x63: {  	_ =	shalt  }
0x64: {  	_ =	shalt  }
0x65: {  	_ =	shalt  }
0x66: {  	_ =	shalt  }
0x67: {  	_ =	shalt  }
0x68: {  	_ =	shalt  }
0x69: {  	_ =	shalt  }
0x6a: {  	_ =	shalt  }
0x6b: {  	_ =	shalt  }
0x6c: {  	_ =	shalt  }
0x6d: {  	_ =	shalt  }
0x6e: {  	_ =	shalt  }
0x6f: {  	_ =	shalt  }
0x70: {  	_ =	shalt  }
0x71: {  	_ =	shalt  }
0x72: {  	_ =	shalt  }
0x73: {  	_ =	shalt  }
0x74: {  	_ =	shalt  }
0x75: {  	_ =	shalt  }
0x76: {  	_ =	shalt  }
0x77: {  	_ =	shalt  }
0x78: {  	_ =	shalt  }
0x79: {  	_ =	shalt  }
0x7a: {  	_ =	shalt  }
0x7b: {  	_ =	shalt  }
0x7c: {  	_ =	shalt  }
0x7d: {  	_ =	shalt  }
0x7e: {  	_ =	shalt  }
0x7f: {  	_ =	shalt  }
0x80: {  	_ =	shalt  }
0x81: {  	_ =	shalt  }
0x82: {  	_ =	shalt  }
0x83: {  	_ =	shalt  }
0x84: {  	_ =	shalt  }
0x85: {  	_ =	shalt  }
0x86: {  	_ =	shalt  }
0x87: {  	_ =	shalt  }
.Lfunc_end0:
.L_simem_size_0:
called_computation.2_lowered:
.L_overlay_start_0:
0x88: {  	s2 =	sld [smem:$0x3FD9]  }
0x89: {  	s3 =	sld [smem:$0x3FFE];
	_ =	sdelay $0x1  }
0x8a: {  	s1 =	srdreg.scid  }
0x8b: {  	s0 =	sand.u32 $0x1, s1  }
0x8c: {  	s17 =	sshll.u32 s0, $0xA;
	s2 =	sadd.s32 s3, s2  }
0x8d: {  	s2 =	sadd.s32 s2, s17  }
0x8e: {  	[smem:$0x3FC0] =	sst s2  }
0x8f: {  	_ = 	snop  }
0x90: {  	s2 =	sld [smem:$0x3FD0];
	(tm) =	ssettm $0x1  }
0x91: {  	s18 =	sld [smem:$0x3FFB];
	_ =	sdelay $0x3  }
0x92: {  	_ =	strace s18  }
0x93: {  	s3 =	sld [smem:$0x3FFC];
	_ =	sdelay $0x3  }
0x94: {  	_ =	strace s3  }
0x95: {  	s3 =	sld [smem:$0x3FFD];
	_ =	sdelay $0x3  }
0x96: {  	_ =	strace s3  }
0x97: {  	_ =	strace $0x8FFFFFFF  }
0x98: {  	s19 =	sld [smem:$0x3FDB];
	_ =	sdelay $0x1  }
0x99: {  	s4 =	simm.s32 $_scs_section_size  }
0x9a: {  	s5 =	simm.s32 $_size__tile_overlayer_lowered;
	s6 =	simm.s32 $_tile_overlayer_lowered  }
0x9b: {  	s22 =	simm.s32 $0x1BFF;
	s21 =	sshll.u32 s6, $0x1;
	s3 =	sadd.s32 s4, s19  }
0x9c: {  	s7 =	simm.s32 $0x0;
	s20 =	sshll.u32 s5, $0x1;
	s5 =	sadd.s32 s21, s3  }
0x9d: {  	[timem:s7], [sflag:s22] =	dma.local [hbm:s5], s20  }
0x9e: {  	_ =	swait.ge [sflag:s22], s20  }
0x9f: {  	s4 =	ssub.s32 $0x0, s20;
	[sflag:s22] =	ssyncset.done $0x0  }
0xa0: {  	[sflag:s22] =	ssyncadd.s32 s4;
	_ =	sdelay $0x1  }
0xa1: {  	s23 =	simm.s32 $0x1B8B  }
0xa2: {  	_ =	swait.ge [sflag:s23], $0x1  }
0xa3: {  	[sflag:s23] =	ssyncset.done $0x0  }
0xa4: {  	s25 =	simm.s32 $0x1B8E;
	s24 =	sld [smem:$0x3FFE];
	[sflag:s23] =	ssyncadd.s32 $0xFFFFFFFF  }
0xa5: {  	s26 =	simm.s32 $execute0_lowered;
	[smem:$0x3FD2] =	sst s25  }
0xa6: {  	s5 =	sshll.u32 s26, $0x1;
	_ =	strace $0x8000004C;
	[dreg:$0x1] =	wrdreg $0xFFFFFFFF  }
0xa7: {  	s28 =	simm.s32 $_size_execute0_lowered;
	s3 =	sadd.s32 s3, s5;
	[dreg:$0x0] =	wrdreg $0x0  }
0xa8: {  	s5 =	sshll.u32 s28, $0x1;
	[dreg:$0x2] =	wrdreg s3  }
0xa9: {  	[dreg:$0x3] =	wrdreg s5  }
0xaa: {  	[dreg:$0x4] =	wrdreg $0xC0  }
0xab: {  	_ =	task [dreg:s7], $0x5FFFF  }
0xac: {  	[dreg:$0x1] =	wrdreg $0xFFFFFFFF  }
0xad: {  	[dreg:$0x0] =	wrdreg $0x60  }
0xae: {  	[dreg:$0x2] =	wrdreg s24  }
0xaf: {  	[dreg:$0x3] =	wrdreg s2  }
0xb0: {  	[dreg:$0x4] =	wrdreg $0x90000  }
0xb1: {  	[dreg:$0x5] =	wrdreg $0x9  }
0xb2: {  	_ =	task.clear_ibuf [dreg:s7], $0x6FFFF;
	_ =	strace $0x9000004C  }
0xb3: {  	s29 =	simm.s32 $0x9;
	_ =	strace $0x8000004E  }
0xb4: {  	_ =	swait.ge [sflag:s29], $0x1  }
0xb5: {  	[sflag:s29] =	ssyncadd.s32 $0xFFFFFFFF  }
0xb6: {  	_ =	strace $0x9000004E  }
0xb7: {  	_ =	sfence  }
0xb8: {  	s30 =	sld [smem:$0x0];
	_ =	sdelay $0x2  }
0xb9: {  	s31 =	sshll.u32 s1, $0xD;
	s1 =	sshrl.u32 s1, $0x2  }
0xba: {  	s3 =	sand.u32 $0x4000, s31;
	s1 =	sadd.s32 s1, s30  }
0xbb: {  	s0 =	sor.u32 s3, s0;
	s1 =	sshll.u32 s1, $0x11  }
0xbc: {  	s0 =	sor.u32 s1, s0  }
0xbd: {  	s0 =	sadd.s32 $0x8F2B, s0  }
0xbe: {  	[sflag:s0] =	ssyncadd.remote.s32 $0x1  }
0xbf: {  	_ =	sfence.sel $0xFFFF  }
0xc0: {  	[dreg:$0x0] =	wrdreg $0xFFFFFFFF;
	(pc) =	sbr.abs _section_cstart, $3  }
0xc1: {  	[dreg:$0x1] =	wrdreg $0xFFFFFFFF  }
0xc2: {  	_ =	task.clear_ibuf [dreg:s7], $0x2FFFF;
	_ =	strace $0x9FFFFFFF  }
0xc3: {  	(tm) =	ssettm $0x7FFFFFFF  }
tec
execute0_lowered:
.L_overlay_start_1:
0x0: {  	(tag) =	ssettag $0x1  }
0x1: {  	s6 =	rddreg [dreg:$0x0]  }
0x2: {  	s0 =	srdreg.scid;
	s2 =	rddreg [dreg:$0x1]  }
0x3: {  	s3 =	rddreg [dreg:$0x2];
	s4 =	simm.s32 $0x0;
	s14 =	simm.s32 $0x80  }
0x4: {  	s15 =	simm.s32 $0x5000;
	s16 =	simm.s32 $0x1;
	s5 =	sand.u32 $0x1, s0  }
0x5: {  	s17 =	simm.s32 $0x0;
	s0 =	stileid.u32;
	s8 =	smul.u32 $0x140000, s5  }
0x6: {  	[smem:$0x7FF] =	sst s4;
	s1 =	sshll.u32 s5, $0x4;
	s9 =	smul.u32 $0x14000, s0  }
0x7: {  	s30 =	ssub.s32 $0x2, s5;
	s11 =	smul.u32 $0x50000, s0;
	s5 =	sadd.s32 $0x16600, s6  }
0x8: {  	s12 =	sshll.u32 s0, $0x6;
	s1 =	sor.u32 s0, s1;
	s10 =	sshrl.u32 s30, $0x1  }
0x9: {  	s12 =	sor.u32 $0x1C02, s12;
	s7 =	smul.u32 $0x500, s1;
	s1 =	rddreg [dreg:$0x3]  }
0xa: {  	_ =	strace $0x8000004D;
	s8 =	sadd.s32 s9, s8;
	s9 =	ssub.s32 s30, s10  }
0xb: {  	s31 =	sshrl.u32 s11, $0x2;
	s10 =	simm.s32 $0x2;
	s11 =	simm.s32 $0x2800  }
0xc: {  	s8 =	sshrl.u32 s8, $0x3;
	s13 =	sadd.s32 s31, s3;
	s9 =	smax.u32 s9, $0x1  }
0xd: {  	s7 =	sadd.s32 s7, s6;
	s8 =	sadd.s32 s8, s6;
	s13 =	sshrl.u32 s13, $0x3  }
0xe: {  	s6 =	sadd.s32 $0x2600, s7;
	s7 =	sadd.s32 $0xC600, s7;
	s8 =	sadd.s32 $0x3E600, s8  }
.LBB2_1:
0xf: {  	[tilespmem:s4], [sflag:$0x2] =	stream.linear.gather [hbm4b:s6+s4], $0x2780, $0x38;
	[tilespmem:$0x1D000] =	vst v63  }
0x10: {  	_ =	swait.ge [sflag:s10], $0x2780  }
0x11: {  	[sflag:s10] =	ssyncset.done $0x0  }
0x12: {  	[sflag:s10] =	ssyncadd.s32 $0xFFFFD880  }
0x13: {  	[tilespmem:s11], [sflag:$0x2] =	stream.linear.gather [hbm4b:s7+s4], $0x2780, $0x38;
	[tilespmem:$0x1D000] =	vst v63  }
0x14: {  	_ =	swait.ge [sflag:s10], $0x2780  }
0x15: {  	[sflag:s10] =	ssyncset.done $0x0  }
0x16: {  	[sflag:s10] =	ssyncadd.s32 $0xFFFFD880  }
0x17: {  	[spmem:s13], [sflag:s12] =	dma.local [hbm:s2], $0x2800  }
0x18: {  	_ =	swait.ge [sflag:s10], $0x2800  }
0x19: {  	[sflag:s10] =	ssyncset.done $0x0  }
0x1a: {  	[sflag:s10] =	ssyncadd.s32 $0xFFFFD800  }
0x1b: {  	s18 =	simm.s32 $0x0;
	[bflag:$0x0] =	sbarrier.arrive $0xFFFF  }
0x1c: {  	[tilespmem:s15], [sflag:$0x1] =	stream.indirect.gather [hbm4b:s5+s14], $0x80, s18, s14, $0xb8;
	[tilespmem:$0x1D000] =	vst v63  }
0x1d: {  	_ =	swait.ge [sflag:s16], $0x4000  }
0x1e: {  	[sflag:s16] =	ssyncset.done $0x0  }
0x1f: {  	s31 =	simm.s32 $0x2800;
	[sflag:s16] =	ssyncadd.s32 $0xFFFFC000  }
0x20: {  	[spmem:s3] =	stream.indirect.scatter.add.f32 [tilespmem:s15], [sflag:$0x2], $0x80, s31, s14, $0xb8;
	[tilespmem:$0x1D000] =	vst v63  }
0x21: {  	_ =	swait.ge [sflag:s10], $0x4000  }
0x22: {  	s19 =	simm.s32 $0x400;
	s18 =	simm.s32 $0x200;
	[sflag:s10] =	ssyncset.done $0x0  }
.LBB2_2:
0x23: {  	s20 =	sshra.s32 s18, $0x2  }
0x24: {  	[sflag:s10] =	ssyncadd.s32 $0xFFFFC000;
	s18 =	smov.u32 s19;
	s21 =	sadd.s32 $0x200, s19  }
0x25: {  	[tilespmem:s15], [sflag:$0x1] =	stream.indirect.gather [hbm4b:s5+s14], $0x80, s20, s14, $0xb8;
	[tilespmem:$0x1D000] =	vst v63  }
0x26: {  	p0 =	sne.s32 s19, $0x9C00;
	_ =	swait.ge [sflag:s16], $0x4000  }
.Ltmp0:
0x27: {  	[sflag:s16] =	ssyncset.done $0x0;
	(pc) =	sbr.rel @p0 .LBB2_2-.Ltmp0, $4  }
0x28: {  	s19 =	sadd.s32 $0x2800, s20;
	[sflag:s16] =	ssyncadd.s32 $0xFFFFC000  }
0x29: {  	[spmem:s3] =	stream.indirect.scatter.add.f32 [tilespmem:s15], [sflag:$0x2], $0x80, s19, s14, $0xb8;
	[tilespmem:$0x1D000] =	vst v63  }
0x2a: {  	_ =	swait.ge [sflag:s10], $0x4000  }
0x2b: {  	s19 =	smov.u32 s21;
	[sflag:s10] =	ssyncset.done $0x0  }
0x2c: {  	s18 =	sshra.s32 s18, $0x2;
	[sflag:s10] =	ssyncadd.s32 $0xFFFFC000  }
0x2d: {  	[tilespmem:s15], [sflag:$0x1] =	stream.indirect.gather [hbm4b:s5+s14], $0x80, s18, s14, $0xb8;
	[tilespmem:$0x1D000] =	vst v63  }
0x2e: {  	_ =	swait.ge [sflag:s16], $0x4000  }
0x2f: {  	[sflag:s16] =	ssyncset.done $0x0  }
0x30: {  	s18 =	sadd.s32 $0x2800, s18;
	[sflag:s16] =	ssyncadd.s32 $0xFFFFC000  }
0x31: {  	[spmem:s3] =	stream.indirect.scatter.add.f32 [tilespmem:s15], [sflag:$0x2], $0x80, s18, s14, $0xb8;
	[tilespmem:$0x1D000] =	vst v63  }
0x32: {  	_ =	swait.ge [sflag:s10], $0x4000  }
0x33: {  	s17 =	sadd.s32 $0x1, s17;
	[sflag:s10] =	ssyncset.done $0x0  }
0x34: {  	p0 =	sne.s32 s17, s9;
	[sflag:s10] =	ssyncadd.s32 $0xFFFFC000  }
.Ltmp1:
0x35: {  	[bflag:$0x0] =	sbarrier.arrive $0xFFFF;
	(pc) =	sbr.rel @p0 .LBB2_1-.Ltmp1, $4  }
0x36: {  	[hbm:s8], [sflag:s12] =	dma.local [spmem:s13], $0x2800  }
0x37: {  	_ =	swait.ge [sflag:s10], $0x2800  }
0x38: {  	[sflag:s10] =	ssyncset.done $0x0  }
0x39: {  	[sflag:s10] =	ssyncadd.s32 $0xFFFFD800  }
0x3a: {  	_ =	sfence.sel $0x180000  }
0x3b: {  	[bflag:$0x0] =	sbarrier.arrive $0xFFFF  }
0x3c: {  	p0 =	sne.s32 s0, $0x0;
	_ =	strace $0x9000004D  }
0x3d: {  	s0 =	sadd.s32 @!p0 $0x100000, s1;
	[bflag:$0x2] =	sbarrier.arrive $0xFFFF  }
0x3e: {  	[sflag:s0] =	ssyncadd.tile.s32 @!p0 $0x1;
	_ =	shalt  }
.Lfunc_end2:
_tile_overlayer_lowered:
.L_overlay_start_2:
0x3f: {  	(tag) =	ssettag $0x2  }
0x40: {  	s0 =	rddreg [dreg:$0x0];
	s2 =	stileid.u32  }
0x41: {  	s1 =	rddreg [dreg:$0x1];
	p0 =	sne.s32 s2, $0x0  }
0x42: {  	s3 =	rddreg [dreg:$0x2];
	[bflag:$0x3] =	sbarrier.arrive $0xFFFF;
	s2 =	simm.s32 @!p0 $0x1C02  }
0x43: {  	[timem:s3], [sflag:s2] =	dma.local @!p0 [hbm:s0], s1  }
0x44: {  	s0 =	simm.s32 @!p0 $0x2  }
0x45: {  	_ =	swait.ge @!p0 [sflag:s0], s1  }
0x46: {  	s1 =	ssub.s32 @!p0 $0x0, s1;
	[sflag:s0] =	ssyncset.done @!p0 $0x0  }
0x47: {  	[sflag:s0] =	ssyncadd.s32 @!p0 s1  }
0x48: {  	[bflag:$0x3] =	sbarrier.arrive $0xFFFF  }
0x49: {  	_ =	shalt  }

// kernel: kernel.20.cloned.1.call-start
scs
__scs_entry_jumppad:
0x0: {  	(pc) =	sbr.rel $0x88, $3  }
0x1: {  	(tag) =	ssettag $0x0;
	lr =	simm.s32 $0x1  }
0x2: {  	[smem:$0x3F99] =	sst lr;
	_ =	strace $0xD0000000  }
0x3: {  	_ = 	snop  }
0x4: {  	_ = 	snop  }
0x5: {  	_ = 	snop  }
0x6: {  	_ = 	snop  }
0x7: {  	_ = 	snop  }
__scs_overlays_trampoline_lowered:
0x8: {  	[smem:$0x3FA8] =	sst s0  }
0x9: {  	[smem:$0x3FA9] =	sst s1  }
0xa: {  	[smem:$0x3FAA] =	sst s2  }
0xb: {  	[smem:$0x3FAB] =	sst s3  }
0xc: {  	[smem:$0x3FAC] =	sst s4  }
0xd: {  	[smem:$0x3FAD] =	sst s5  }
0xe: {  	[smem:$0x3FAE] =	sst s6  }
0xf: {  	[smem:$0x3FAF] =	sst s7  }
0x10: {  	[smem:$0x3FB0] =	sst s8  }
0x11: {  	[smem:$0x3FB1] =	sst s9;
	s0 =	simm.s32 @!p0 $0x0  }
0x12: {  	s1 =	sld [smem:$0x3F97];
	s0 =	simm.s32 @p0 $0x1  }
0x13: {  	[smem:$0x3FB2] =	sst s0;
	s0 =	simm.s32 @!p1 $0x0  }
0x14: {  	s2 =	sld [smem:$0x3F96];
	s0 =	simm.s32 @p1 $0x1  }
0x15: {  	[smem:$0x3FB3] =	sst s0;
	s0 =	simm.s32 @!p2 $0x0  }
0x16: {  	s3 =	sld [smem:$0x3FDB];
	s0 =	simm.s32 @p2 $0x1  }
0x17: {  	s4 =	simm.s32 $0x1BF5;
	[smem:$0x3FB5] =	sst s0  }
0x18: {  	s0 =	sld [smem:$0x3F98];
	_ =	swait.ge [sflag:s4], $0x0  }
0x19: {  	s7 =	sld [smem:$0x3F99]  }
0x1a: {  	s8 =	sadd.s32 $0xFFFFE003, lr  }
0x1b: {  	s9 =	sadd.s32 $0xFFFFFEF7, lr;
	s5 =	simm.s32 $0xFFFFFFFF;
	p2 =	slt.u32 s8, $0xFFFFF086  }
0x1c: {  	p1 =	slt.u32 s9, $0xF7A;
	s5 =	simm.s32 @!p2 $0x0  }
0x1d: {  	s5 =	simm.s32 @p1 $0x1;
	p0 =	seq.s32 s7, s2  }
0x1e: {  	s7 =	smul.u32 @!p0 $0xF7A, s2;
	p2 =	seq.s32 @!p0 s5, $0x0  }
0x1f: {  	s9 =	smul.u32 $0xF7A, s1;
	s8 =	simm.s32 @!p0 $0x1BF5;
	p2 =	por !p2, p0  }
0x20: {  	[sflag:s8] =	ssyncset.s32 @!p0 $0xFFFFF086;
	s6 =	sadd.s32 @!p0 s3, s7;
	s7 =	simm.s32 @!p0 $0x108  }
0x21: {  	s3 =	sadd.s32 s3, s9;
	s6 =	sadd.s32 @!p0 $0x88, s6;
	s7 =	simm.s32 @p2 $0x1082  }
0x22: {  	[simem:s7], [sflag:s8] =	dma.local @!p0 [hbm:s6], $0xF7A  }
0x23: {  	s9 =	sor.u32 $0xD0000000, s2;
	s6 =	simm.s32 $0x108;
	_ =	swait.ge @!p0 [sflag:s8], $0x0  }
0x24: {  	s3 =	sadd.s32 $0x88, s3;
	s6 =	simm.s32 @!p1 $0x1082;
	[sflag:s4] =	ssyncset.s32 $0xFFFFF086  }
0x25: {  	[simem:s6], [sflag:s4] =	dma.local [hbm:s3], $0xF7A  }
0x26: {  	[smem:$0x3F99] =	sst s1;
	(tag) =	ssettag s2;
	_ =	strace s9  }
0x27: {  	s1 =	sld [smem:$0x3FA9]  }
0x28: {  	s2 =	sld [smem:$0x3FAA]  }
0x29: {  	s4 =	sld [smem:$0x3FAC]  }
0x2a: {  	p0 =	seq.s32 s5, $0x0;
	s5 =	sld [smem:$0x3FAD]  }
0x2b: {  	s6 =	sld [smem:$0x3FAE]  }
0x2c: {  	s7 =	sld [smem:$0x3FAF]  }
0x2d: {  	s3 =	simm.s32 $0x108;
	s8 =	sld [smem:$0x3FB0]  }
0x2e: {  	s3 =	simm.s32 @!p0 $0x1082;
	s9 =	sld [smem:$0x3FB1]  }
0x2f: {  	lr =	sadd.s32 s0, s3;
	s0 =	sld [smem:$0x3FA8]  }
0x30: {  	s3 =	sld [smem:$0x3FAB]  }
0x31: {  	[smem:$0x3FB4] =	sst s10  }
0x32: {  	s10 =	sld [smem:$0x3FB2];
	_ =	sdelay $0x3  }
0x33: {  	p0 =	seq.s32 s10, $0x1;
	s10 =	sld [smem:$0x3FB4];
	_ =	sdelay $0x3  }
0x34: {  	[smem:$0x3FB4] =	sst s10  }
0x35: {  	s10 =	sld [smem:$0x3FB3];
	_ =	sdelay $0x3  }
0x36: {  	p1 =	seq.s32 s10, $0x1;
	s10 =	sld [smem:$0x3FB4];
	_ =	sdelay $0x3  }
0x37: {  	[smem:$0x3FB4] =	sst s10  }
0x38: {  	s10 =	sld [smem:$0x3FB5]  }
0x39: {  	_ = 	snop;
	(pc) =	sbr.ind lr, $3  }
0x3a: {  	_ = 	snop  }
0x3b: {  	_ = 	snop  }
0x3c: {  	p2 =	seq.s32 s10, $0x1;
	s10 =	sld [smem:$0x3FB4]  }
0x3d: {  	_ =	shalt  }
0x3e: {  	_ =	shalt  }
0x3f: {  	_ =	shalt  }
0x40: {  	_ =	shalt  }
0x41: {  	_ =	shalt  }
0x42: {  	_ =	shalt  }
0x43: {  	_ =	shalt  }
0x44: {  	_ =	shalt  }
0x45: {  	_ =	shalt  }
0x46: {  	_ =	shalt  }
0x47: {  	_ =	shalt  }
0x48: {  	_ =	shalt  }
0x49: {  	_ =	shalt  }
0x4a: {  	_ =	shalt  }
0x4b: {  	_ =	shalt  }
0x4c: {  	_ =	shalt  }
0x4d: {  	_ =	shalt  }
0x4e: {  	_ =	shalt  }
0x4f: {  	_ =	shalt  }
0x50: {  	_ =	shalt  }
0x51: {  	_ =	shalt  }
0x52: {  	_ =	shalt  }
0x53: {  	_ =	shalt  }
0x54: {  	_ =	shalt  }
0x55: {  	_ =	shalt  }
0x56: {  	_ =	shalt  }
0x57: {  	_ =	shalt  }
0x58: {  	_ =	shalt  }
0x59: {  	_ =	shalt  }
0x5a: {  	_ =	shalt  }
0x5b: {  	_ =	shalt  }
0x5c: {  	_ =	shalt  }
0x5d: {  	_ =	shalt  }
0x5e: {  	_ =	shalt  }
0x5f: {  	_ =	shalt  }
0x60: {  	_ =	shalt  }
0x61: {  	_ =	shalt  }
0x62: {  	_ =	shalt  }
0x63: {  	_ =	shalt  }
0x64: {  	_ =	shalt  }
0x65: {  	_ =	shalt  }
0x66: {  	_ =	shalt  }
0x67: {  	_ =	shalt  }
0x68: {  	_ =	shalt  }
0x69: {  	_ =	shalt  }
0x6a: {  	_ =	shalt  }
0x6b: {  	_ =	shalt  }
0x6c: {  	_ =	shalt  }
0x6d: {  	_ =	shalt  }
0x6e: {  	_ =	shalt  }
0x6f: {  	_ =	shalt  }
0x70: {  	_ =	shalt  }
0x71: {  	_ =	shalt  }
0x72: {  	_ =	shalt  }
0x73: {  	_ =	shalt  }
0x74: {  	_ =	shalt  }
0x75: {  	_ =	shalt  }
0x76: {  	_ =	shalt  }
0x77: {  	_ =	shalt  }
0x78: {  	_ =	shalt  }
0x79: {  	_ =	shalt  }
0x7a: {  	_ =	shalt  }
0x7b: {  	_ =	shalt  }
0x7c: {  	_ =	shalt  }
0x7d: {  	_ =	shalt  }
0x7e: {  	_ =	shalt  }
0x7f: {  	_ =	shalt  }
0x80: {  	_ =	shalt  }
0x81: {  	_ =	shalt  }
0x82: {  	_ =	shalt  }
0x83: {  	_ =	shalt  }
0x84: {  	_ =	shalt  }
0x85: {  	_ =	shalt  }
0x86: {  	_ =	shalt  }
0x87: {  	_ =	shalt  }
.Lfunc_end0:
.L_simem_size_0:
called_computation.3_lowered:
.L_overlay_start_0:
0x88: {  	s2 =	sld [smem:$0x3FD9]  }
0x89: {  	s3 =	sld [smem:$0x3FFE];
	_ =	sdelay $0x1  }
0x8a: {  	s1 =	srdreg.scid  }
0x8b: {  	s0 =	sand.u32 $0x1, s1  }
0x8c: {  	s17 =	sshll.u32 s0, $0xA;
	s2 =	sadd.s32 s3, s2  }
0x8d: {  	s2 =	sadd.s32 s2, s17  }
0x8e: {  	[smem:$0x3FC0] =	sst s2  }
0x8f: {  	_ = 	snop  }
0x90: {  	s2 =	sld [smem:$0x3FD0];
	(tm) =	ssettm $0x1  }
0x91: {  	s18 =	sld [smem:$0x3FFB];
	_ =	sdelay $0x3  }
0x92: {  	_ =	strace s18  }
0x93: {  	s3 =	sld [smem:$0x3FFC];
	_ =	sdelay $0x3  }
0x94: {  	_ =	strace s3  }
0x95: {  	s3 =	sld [smem:$0x3FFD];
	_ =	sdelay $0x3  }
0x96: {  	_ =	strace s3  }
0x97: {  	_ =	strace $0x8FFFFFFF  }
0x98: {  	s19 =	sld [smem:$0x3FDB];
	_ =	sdelay $0x1  }
0x99: {  	s4 =	simm.s32 $_scs_section_size  }
0x9a: {  	s5 =	simm.s32 $_size__tile_overlayer_lowered;
	s6 =	simm.s32 $_tile_overlayer_lowered  }
0x9b: {  	s22 =	simm.s32 $0x1BFF;
	s21 =	sshll.u32 s6, $0x1;
	s3 =	sadd.s32 s4, s19  }
0x9c: {  	s7 =	simm.s32 $0x0;
	s20 =	sshll.u32 s5, $0x1;
	s5 =	sadd.s32 s21, s3  }
0x9d: {  	[timem:s7], [sflag:s22] =	dma.local [hbm:s5], s20  }
0x9e: {  	_ =	swait.ge [sflag:s22], s20  }
0x9f: {  	s4 =	ssub.s32 $0x0, s20;
	[sflag:s22] =	ssyncset.done $0x0  }
0xa0: {  	[sflag:s22] =	ssyncadd.s32 s4;
	_ =	sdelay $0x1  }
0xa1: {  	s23 =	simm.s32 $0x1B8B  }
0xa2: {  	_ =	swait.ge [sflag:s23], $0x1  }
0xa3: {  	[sflag:s23] =	ssyncset.done $0x0  }
0xa4: {  	s25 =	simm.s32 $0x1B8E;
	s24 =	sld [smem:$0x3FFE];
	[sflag:s23] =	ssyncadd.s32 $0xFFFFFFFF  }
0xa5: {  	s26 =	simm.s32 $execute0_lowered;
	[smem:$0x3FD2] =	sst s25  }
0xa6: {  	s5 =	sshll.u32 s26, $0x1;
	_ =	strace $0x8000004F;
	[dreg:$0x1] =	wrdreg $0xFFFFFFFF  }
0xa7: {  	s28 =	simm.s32 $_size_execute0_lowered;
	s3 =	sadd.s32 s3, s5;
	[dreg:$0x0] =	wrdreg $0x0  }
0xa8: {  	s5 =	sshll.u32 s28, $0x1;
	[dreg:$0x2] =	wrdreg s3  }
0xa9: {  	[dreg:$0x3] =	wrdreg s5  }
0xaa: {  	[dreg:$0x4] =	wrdreg $0xC0  }
0xab: {  	_ =	task [dreg:s7], $0x5FFFF  }
0xac: {  	[dreg:$0x1] =	wrdreg $0xFFFFFFFF  }
0xad: {  	[dreg:$0x0] =	wrdreg $0x60  }
0xae: {  	[dreg:$0x2] =	wrdreg s24  }
0xaf: {  	[dreg:$0x3] =	wrdreg s2  }
0xb0: {  	[dreg:$0x4] =	wrdreg $0x90000  }
0xb1: {  	[dreg:$0x5] =	wrdreg $0x9  }
0xb2: {  	_ =	task.clear_ibuf [dreg:s7], $0x6FFFF;
	_ =	strace $0x9000004F  }
0xb3: {  	s29 =	simm.s32 $0x9;
	_ =	strace $0x80000051  }
0xb4: {  	_ =	swait.ge [sflag:s29], $0x1  }
0xb5: {  	[sflag:s29] =	ssyncadd.s32 $0xFFFFFFFF  }
0xb6: {  	_ =	strace $0x90000051  }
0xb7: {  	_ =	sfence  }
0xb8: {  	s30 =	sld [smem:$0x0];
	_ =	sdelay $0x2  }
0xb9: {  	s31 =	sshll.u32 s1, $0xD;
	s1 =	sshrl.u32 s1, $0x2  }
0xba: {  	s3 =	sand.u32 $0x4000, s31;
	s1 =	sadd.s32 s1, s30  }
0xbb: {  	s0 =	sor.u32 s3, s0;
	s1 =	sshll.u32 s1, $0x11  }
0xbc: {  	s0 =	sor.u32 s1, s0  }
0xbd: {  	s0 =	sadd.s32 $0x8F2B, s0  }
0xbe: {  	[sflag:s0] =	ssyncadd.remote.s32 $0x1  }
0xbf: {  	_ =	sfence.sel $0xFFFF  }
0xc0: {  	[dreg:$0x0] =	wrdreg $0xFFFFFFFF;
	(pc) =	sbr.abs _section_cstart, $3  }
0xc1: {  	[dreg:$0x1] =	wrdreg $0xFFFFFFFF  }
0xc2: {  	_ =	task.clear_ibuf [dreg:s7], $0x2FFFF;
	_ =	strace $0x9FFFFFFF  }
0xc3: {  	(tm) =	ssettm $0x7FFFFFFF  }
tec
execute0_lowered:
.L_overlay_start_1:
0x0: {  	(tag) =	ssettag $0x1  }
0x1: {  	s6 =	rddreg [dreg:$0x0]  }
0x2: {  	s0 =	srdreg.scid;
	s2 =	rddreg [dreg:$0x1]  }
0x3: {  	s3 =	rddreg [dreg:$0x2];
	s4 =	simm.s32 $0x0;
	s14 =	simm.s32 $0x80  }
0x4: {  	s15 =	simm.s32 $0x5000;
	s16 =	simm.s32 $0x1;
	s5 =	sand.u32 $0x1, s0  }
0x5: {  	s17 =	simm.s32 $0x0;
	s0 =	stileid.u32;
	s8 =	smul.u32 $0x140000, s5  }
0x6: {  	[smem:$0x7FF] =	sst s4;
	s1 =	sshll.u32 s5, $0x4;
	s9 =	smul.u32 $0x14000, s0  }
0x7: {  	s30 =	ssub.s32 $0x2, s5;
	s11 =	smul.u32 $0x50000, s0;
	s5 =	sadd.s32 $0x16600, s6  }
0x8: {  	s12 =	sshll.u32 s0, $0x6;
	s1 =	sor.u32 s0, s1;
	s10 =	sshrl.u32 s30, $0x1  }
0x9: {  	s12 =	sor.u32 $0x1C02, s12;
	s7 =	smul.u32 $0x500, s1;
	s1 =	rddreg [dreg:$0x3]  }
0xa: {  	_ =	strace $0x80000050;
	s8 =	sadd.s32 s9, s8;
	s9 =	ssub.s32 s30, s10  }
0xb: {  	s31 =	sshrl.u32 s11, $0x2;
	s10 =	simm.s32 $0x2;
	s11 =	simm.s32 $0x2800  }
0xc: {  	s8 =	sshrl.u32 s8, $0x3;
	s13 =	sadd.s32 s31, s3;
	s9 =	smax.u32 s9, $0x1  }
0xd: {  	s7 =	sadd.s32 s7, s6;
	s8 =	sadd.s32 s8, s6;
	s13 =	sshrl.u32 s13, $0x3  }
0xe: {  	s6 =	sadd.s32 $0x2600, s7;
	s7 =	sadd.s32 $0xC600, s7;
	s8 =	sadd.s32 $0x3E600, s8  }
.LBB2_1:
0xf: {  	[tilespmem:s4], [sflag:$0x2] =	stream.linear.gather [hbm4b:s6+s4], $0x2780, $0x38;
	[tilespmem:$0x1D000] =	vst v63  }
0x10: {  	_ =	swait.ge [sflag:s10], $0x2780  }
0x11: {  	[sflag:s10] =	ssyncset.done $0x0  }
0x12: {  	[sflag:s10] =	ssyncadd.s32 $0xFFFFD880  }
0x13: {  	[tilespmem:s11], [sflag:$0x2] =	stream.linear.gather [hbm4b:s7+s4], $0x2780, $0x38;
	[tilespmem:$0x1D000] =	vst v63  }
0x14: {  	_ =	swait.ge [sflag:s10], $0x2780  }
0x15: {  	[sflag:s10] =	ssyncset.done $0x0  }
0x16: {  	[sflag:s10] =	ssyncadd.s32 $0xFFFFD880  }
0x17: {  	[spmem:s13], [sflag:s12] =	dma.local [hbm:s2], $0x2800  }
0x18: {  	_ =	swait.ge [sflag:s10], $0x2800  }
0x19: {  	[sflag:s10] =	ssyncset.done $0x0  }
0x1a: {  	[sflag:s10] =	ssyncadd.s32 $0xFFFFD800  }
0x1b: {  	s18 =	simm.s32 $0x0;
	[bflag:$0x0] =	sbarrier.arrive $0xFFFF  }
0x1c: {  	[tilespmem:s15], [sflag:$0x1] =	stream.indirect.gather [hbm4b:s5+s14], $0x80, s18, s14, $0xb8;
	[tilespmem:$0x1D000] =	vst v63  }
0x1d: {  	_ =	swait.ge [sflag:s16], $0x4000  }
0x1e: {  	[sflag:s16] =	ssyncset.done $0x0  }
0x1f: {  	s31 =	simm.s32 $0x2800;
	[sflag:s16] =	ssyncadd.s32 $0xFFFFC000  }
0x20: {  	[spmem:s3] =	stream.indirect.scatter.add.f32 [tilespmem:s15], [sflag:$0x2], $0x80, s31, s14, $0xb8;
	[tilespmem:$0x1D000] =	vst v63  }
0x21: {  	_ =	swait.ge [sflag:s10], $0x4000  }
0x22: {  	s19 =	simm.s32 $0x400;
	s18 =	simm.s32 $0x200;
	[sflag:s10] =	ssyncset.done $0x0  }
.LBB2_2:
0x23: {  	s20 =	sshra.s32 s18, $0x2  }
0x24: {  	[sflag:s10] =	ssyncadd.s32 $0xFFFFC000;
	s18 =	smov.u32 s19;
	s21 =	sadd.s32 $0x200, s19  }
0x25: {  	[tilespmem:s15], [sflag:$0x1] =	stream.indirect.gather [hbm4b:s5+s14], $0x80, s20, s14, $0xb8;
	[tilespmem:$0x1D000] =	vst v63  }
0x26: {  	p0 =	sne.s32 s19, $0x9C00;
	_ =	swait.ge [sflag:s16], $0x4000  }
.Ltmp0:
0x27: {  	[sflag:s16] =	ssyncset.done $0x0;
	(pc) =	sbr.rel @p0 .LBB2_2-.Ltmp0, $4  }
0x28: {  	s19 =	sadd.s32 $0x2800, s20;
	[sflag:s16] =	ssyncadd.s32 $0xFFFFC000  }
0x29: {  	[spmem:s3] =	stream.indirect.scatter.add.f32 [tilespmem:s15], [sflag:$0x2], $0x80, s19, s14, $0xb8;
	[tilespmem:$0x1D000] =	vst v63  }
0x2a: {  	_ =	swait.ge [sflag:s10], $0x4000  }
0x2b: {  	s19 =	smov.u32 s21;
	[sflag:s10] =	ssyncset.done $0x0  }
0x2c: {  	s18 =	sshra.s32 s18, $0x2;
	[sflag:s10] =	ssyncadd.s32 $0xFFFFC000  }
0x2d: {  	[tilespmem:s15], [sflag:$0x1] =	stream.indirect.gather [hbm4b:s5+s14], $0x80, s18, s14, $0xb8;
	[tilespmem:$0x1D000] =	vst v63  }
0x2e: {  	_ =	swait.ge [sflag:s16], $0x4000  }
0x2f: {  	[sflag:s16] =	ssyncset.done $0x0  }
0x30: {  	s18 =	sadd.s32 $0x2800, s18;
	[sflag:s16] =	ssyncadd.s32 $0xFFFFC000  }
0x31: {  	[spmem:s3] =	stream.indirect.scatter.add.f32 [tilespmem:s15], [sflag:$0x2], $0x80, s18, s14, $0xb8;
	[tilespmem:$0x1D000] =	vst v63  }
0x32: {  	_ =	swait.ge [sflag:s10], $0x4000  }
0x33: {  	s17 =	sadd.s32 $0x1, s17;
	[sflag:s10] =	ssyncset.done $0x0  }
0x34: {  	p0 =	sne.s32 s17, s9;
	[sflag:s10] =	ssyncadd.s32 $0xFFFFC000  }
.Ltmp1:
0x35: {  	[bflag:$0x0] =	sbarrier.arrive $0xFFFF;
	(pc) =	sbr.rel @p0 .LBB2_1-.Ltmp1, $4  }
0x36: {  	[hbm:s8], [sflag:s12] =	dma.local [spmem:s13], $0x2800  }
0x37: {  	_ =	swait.ge [sflag:s10], $0x2800  }
0x38: {  	[sflag:s10] =	ssyncset.done $0x0  }
0x39: {  	[sflag:s10] =	ssyncadd.s32 $0xFFFFD800  }
0x3a: {  	_ =	sfence.sel $0x180000  }
0x3b: {  	[bflag:$0x0] =	sbarrier.arrive $0xFFFF  }
0x3c: {  	p0 =	sne.s32 s0, $0x0;
	_ =	strace $0x90000050  }
0x3d: {  	s0 =	sadd.s32 @!p0 $0x100000, s1;
	[bflag:$0x2] =	sbarrier.arrive $0xFFFF  }
0x3e: {  	[sflag:s0] =	ssyncadd.tile.s32 @!p0 $0x1;
	_ =	shalt  }
.Lfunc_end2:
_tile_overlayer_lowered:
.L_overlay_start_2:
0x3f: {  	(tag) =	ssettag $0x2  }
0x40: {  	s0 =	rddreg [dreg:$0x0];
	s2 =	stileid.u32  }
0x41: {  	s1 =	rddreg [dreg:$0x1];
	p0 =	sne.s32 s2, $0x0  }
0x42: {  	s3 =	rddreg [dreg:$0x2];
	[bflag:$0x3] =	sbarrier.arrive $0xFFFF;
	s2 =	simm.s32 @!p0 $0x1C02  }
0x43: {  	[timem:s3], [sflag:s2] =	dma.local @!p0 [hbm:s0], s1  }
0x44: {  	s0 =	simm.s32 @!p0 $0x2  }
0x45: {  	_ =	swait.ge @!p0 [sflag:s0], s1  }
0x46: {  	s1 =	ssub.s32 @!p0 $0x0, s1;
	[sflag:s0] =	ssyncset.done @!p0 $0x0  }
0x47: {  	[sflag:s0] =	ssyncadd.s32 @!p0 s1  }
0x48: {  	[bflag:$0x3] =	sbarrier.arrive $0xFFFF  }
0x49: {  	_ =	shalt  }

</sc_bundles>
